<compile_context>
chip_gen: v7x
topology: tpu7x:2x2x1
jax: 0.10.2.dev20260603
libtpu: 0.0.44.dev20260713+nightly
codegen_flags: <defaults>
</compile_context>

<pallas_src>
import functools

import jax
import jax.numpy as jnp
from jax import lax
from jax.experimental import pallas as pl
from jax.experimental.pallas import tpu as pltpu
from jax.experimental.pallas import tpu_sc as plsc

L = 16
NC = 2
NS = 16
NW = NC * NS
SP = 80
OFF = 8


def _build_tables(vals_v, a_v, b_v, cd_v, num_knots):
    k = num_knots
    for j in range(SP // L):
        s = lax.iota(jnp.int32, L) + j * L
        i = s - OFF
        ii = jnp.clip(i, 0, k - 2)
        v0 = plsc.load_gather(vals_v, [ii])
        v1 = plsc.load_gather(vals_v, [ii + 1])
        vm = plsc.load_gather(vals_v, [jnp.clip(ii - 1, 0, k - 1)])
        vp = plsc.load_gather(vals_v, [jnp.clip(ii + 2, 0, k - 1)])
        m0h = 0.5 * (v1 - vm)
        m1h = 0.5 * (vp - v0)
        a = v0
        b = m0h
        c = 3.0 * (v1 - v0) - 2.0 * m0h - m1h
        d = 2.0 * (v0 - v1) + m0h + m1h
        fi = i.astype(jnp.float32)
        lin = v1 - v0
        left = i < 0
        right = i >= k - 1
        edge = left | right
        zero = jnp.zeros((L,), jnp.float32)
        a = jnp.where(left, v0 + fi * lin,
                      jnp.where(right, v1 + (fi - (k - 1)) * lin, a))
        b = jnp.where(edge, lin, b)
        c = jnp.where(edge, zero, c)
        d = jnp.where(edge, zero, d)
        a_v[pl.ds(j * L, L)] = a
        b_v[pl.ds(j * L, L)] = b
        cd = plsc.pack(c, d, format=plsc.PackFormat.INTERLEAVED)
        cd_v[pl.ds(j * L, L)] = plsc.bitcast(cd, jnp.int32)


def _make_kernel(n, num_knots, chunk):
    per_w = n // NW
    steps = chunk // L
    chunks = per_w // chunk
    scale = float(num_knots - 1)

    mesh = plsc.VectorSubcoreMesh(core_axis_name="c", subcore_axis_name="s")

    @functools.partial(
        pl.kernel,
        mesh=mesh,
        out_type=jax.ShapeDtypeStruct((n,), jnp.float32),
        compiler_params=pltpu.CompilerParams(needs_layout_passes=False),
        scratch_types=[
            pltpu.VMEM((num_knots,), jnp.float32),
            pltpu.VMEM((SP,), jnp.float32),
            pltpu.VMEM((SP,), jnp.float32),
            pltpu.VMEM((SP,), jnp.int32),
            pltpu.VMEM((chunk,), jnp.float32),
            pltpu.VMEM((chunk,), jnp.float32),
            pltpu.VMEM((chunk,), jnp.float32),
            pltpu.VMEM((chunk,), jnp.float32),
            pltpu.SemaphoreType.DMA,
            pltpu.SemaphoreType.DMA,
            pltpu.SemaphoreType.DMA,
            pltpu.SemaphoreType.DMA,
        ],
    )
    def k(x_hbm, vals_hbm, out_hbm, vals_v, a_v, b_v, cd_v,
          xb0, xb1, yb0, yb1, is0, is1, os0, os1):
        wid = lax.axis_index("s") * NC + lax.axis_index("c")
        pltpu.sync_copy(vals_hbm, vals_v)
        _build_tables(vals_v, a_v, b_v, cd_v, num_knots)
        base = wid * per_w
        bufs = ((xb0, yb0, is0, os0), (xb1, yb1, is1, os1))

        def x_slice(g):
            return x_hbm.at[pl.ds(base + g * chunk, chunk)]

        def y_slice(g):
            return out_hbm.at[pl.ds(base + g * chunk, chunk)]

        def compute(xb, yb):
            @plsc.parallel_loop(0, steps, unroll=4)
            def step(t):
                xv = xb[pl.ds(t * L, L)]
                xs = xv * scale + float(OFF)
                s = xs.astype(jnp.int32)
                u = xs - s.astype(jnp.float32)
                a = plsc.load_gather(a_v, [s])
                b = plsc.load_gather(b_v, [s])
                w = plsc.load_gather(cd_v, [s])
                c, d = plsc.unpack(plsc.bitcast(w, jnp.bfloat16),
                                   format=plsc.PackFormat.INTERLEAVED)
                yb[pl.ds(t * L, L)] = a + u * (b + u * (c + u * d))

        pltpu.async_copy(x_slice(0), xb0, is0)

        def outer(gg, carry):
            for p in range(2):
                xb, yb, isem, osem = bufs[p]
                nxb, _, nisem, _ = bufs[1 - p]
                g = 2 * gg + p

                @pl.when(g + 1 < chunks)
                def _():
                    pltpu.async_copy(x_slice(g + 1), nxb, nisem)

                pltpu.make_async_copy(x_slice(g), xb, isem).wait()

                @pl.when(g >= 2)
                def _():
                    pltpu.make_async_copy(yb, y_slice(g - 2), osem).wait()

                compute(xb, yb)
                pltpu.async_copy(yb, y_slice(g), osem)
            return carry

        lax.fori_loop(0, chunks // 2, outer, 0)
        pltpu.make_async_copy(yb0, y_slice(chunks - 2), os0).wait()
        pltpu.make_async_copy(yb1, y_slice(chunks - 1), os1).wait()

    return k


def kernel(x, values):
    n = x.shape[0]
    num_knots = values.shape[0]
    chunk = 8192
    while n % (NW * chunk * 2) != 0:
        chunk //= 2
    return _make_kernel(n, num_knots, chunk)(x, values)

# --- scband reference (transcript-rebuilt; emitter-appended) ---
"""Pipeline reference for scband-cubic-spline1-d-962072674706 (READ-ONLY COPY).

The authoritative reference and input builder live on the scoring server;
editing this copy changes nothing except your own understanding.
"""

import jax, jax.numpy as jnp
import numpy as np

NUM_KNOTS = 64
IN_MIN = 0.0
IN_MAX = 1.0


def setup_inputs(seed: int = 0) -> dict:
    key = jax.random.key(seed)
    k1, k2 = jax.random.split(key)
    # x slightly outside [0,1] to exercise linear extrapolation branches
    x = jax.random.uniform(k1, (16777216,), dtype=jnp.float32, minval=-0.05, maxval=1.05)
    # learned knot values (nn.Parameter); randomized so outputs/grads are nontrivial
    values = jax.random.normal(k2, (NUM_KNOTS,), dtype=jnp.float32) * 0.05
    return {"x": x, "values": values}


def reference(x, values):
    num_knots = values.shape[0]
    knots = jnp.linspace(IN_MIN, IN_MAX, num_knots).astype(jnp.float32)
    below = x < IN_MIN
    above = x > IN_MAX
    x_clamped = jnp.clip(x, IN_MIN, IN_MAX)
    idx = jnp.searchsorted(knots, x_clamped) - 1
    idx = jnp.clip(idx, 0, num_knots - 2)
    x0 = knots[idx]
    x1 = knots[idx + 1]
    h = x1 - x0
    h = jnp.where(h > 1e-12, h, jnp.ones_like(h))
    t = (x_clamped - x0) / h
    v0 = values[idx]
    v1 = values[idx + 1]
    im1 = jnp.clip(idx - 1, 0, num_knots - 1)
    ip1 = jnp.clip(idx + 1, 0, num_knots - 1)
    ip2 = jnp.clip(idx + 2, 0, num_knots - 1)
    delta = max((IN_MAX - IN_MIN) / (num_knots - 1), 1e-12)
    m0 = 0.5 * (values[ip1] - values[im1]) / delta
    m1 = 0.5 * (values[ip2] - values[idx]) / delta
    t2 = t * t
    t3 = t2 * t
    h00 = 2 * t3 - 3 * t2 + 1
    h10 = t3 - 2 * t2 + t
    h01 = -2 * t3 + 3 * t2
    h11 = t3 - t2
    y_in = h00 * v0 + h10 * m0 * h + h01 * v1 + h11 * m1 * h
    vL0, vL1 = values[0], values[1]
    vR0, vR1 = values[-2], values[-1]
    m_left = (vL1 - vL0) / delta
    m_right = (vR1 - vR0) / delta
    y_left = vL0 + m_left * (x - IN_MIN)
    y_right = vR1 + m_right * (x - IN_MAX)
    y = jnp.where(below, y_left, y_in)
    y = jnp.where(above, y_right, y)
    return y

if __name__ == "__main__":
    import jax
    _d = setup_inputs()
    print(jax.jit(kernel)(*tuple(_d.values())))

</pallas_src>

<mosaic_0001>
#map = affine_map<(d0, d1) -> (0)>
module attributes {stable_mosaic.version = 14 : i64} {
  func.func @k(%arg0: i32, %arg1: i32, %arg2: memref<16777216xf32, #tpu.memory_space<hbm>>, %arg3: memref<64xf32, #tpu.memory_space<hbm>>, %arg4: memref<16777216xf32, #tpu.memory_space<hbm>>, %arg5: memref<64xf32, #tpu.memory_space<vmem>>, %arg6: memref<80xf32, #tpu.memory_space<vmem>>, %arg7: memref<80xf32, #tpu.memory_space<vmem>>, %arg8: memref<80xi32, #tpu.memory_space<vmem>>, %arg9: memref<8192xf32, #tpu.memory_space<vmem>>, %arg10: memref<8192xf32, #tpu.memory_space<vmem>>, %arg11: memref<8192xf32, #tpu.memory_space<vmem>>, %arg12: memref<8192xf32, #tpu.memory_space<vmem>>, %arg13: memref<!tpu.dma_semaphore, #tpu.memory_space<semaphore_mem>>, %arg14: memref<!tpu.dma_semaphore, #tpu.memory_space<semaphore_mem>>, %arg15: memref<!tpu.dma_semaphore, #tpu.memory_space<semaphore_mem>>, %arg16: memref<!tpu.dma_semaphore, #tpu.memory_space<semaphore_mem>>) attributes {dimension_semantics = [#tpu.dimension_semantics<core_parallel>, #tpu.dimension_semantics<subcore_parallel>], iteration_bounds = array<i64: 2, 16>, scalar_prefetch = 0 : i64, scratch_operands = 12 : i64, tpu.core_type = #tpu.core_type<sc_vector_subcore>, window_params = [{transform_indices = #map}, {transform_indices = #map}, {transform_indices = #map}]} {
    %mul3A = arith.constant 2 : i32
    %mul3A_0 = arith.muli %arg1, %mul3A : i32
    %add3A = arith.addi %mul3A_0, %arg0 : i32
    "tpu.region"() ({
      %run_scoped3A = tpu.sem_alloc : memref<!tpu.dma_semaphore, #tpu.memory_space<semaphore_mem>>
      tpu.enqueue_dma source(%arg3 : memref<64xf32, #tpu.memory_space<hbm>>) target(%arg5 : memref<64xf32, #tpu.memory_space<vmem>>) target_semaphore(%run_scoped3A : memref<!tpu.dma_semaphore, #tpu.memory_space<semaphore_mem>>)
      tpu.wait_dma2 semaphore(%run_scoped3A : memref<!tpu.dma_semaphore, #tpu.memory_space<semaphore_mem>>) src(%arg3 : memref<64xf32, #tpu.memory_space<hbm>>) dst(%arg5 : memref<64xf32, #tpu.memory_space<vmem>>)
      tpu.yield
    }) : () -> ()
    %iota3A = tpu.iota {dimensions = array<i32: 0>} : vector<16xi32>
    %add3A_1 = arith.constant 0 : i32
    %add3A_2 = vector.broadcast %add3A_1 : i32 to vector<16xi32>
    %add3A_3 = arith.addi %iota3A, %add3A_2 : vector<16xi32>
    %sub3A = arith.constant 8 : i32
    %sub3A_4 = vector.broadcast %sub3A : i32 to vector<16xi32>
    %sub3A_5 = arith.subi %add3A_3, %sub3A_4 : vector<16xi32>
    %jit3A = arith.constant 0 : i32
    %jit3A_6 = arith.constant 62 : i32
    %max3A = vector.broadcast %jit3A : i32 to vector<16xi32>
    %max3A_7 = arith.maxsi %max3A, %sub3A_5 : vector<16xi32>
    %min3A = vector.broadcast %jit3A_6 : i32 to vector<16xi32>
    %min3A_8 = arith.minsi %min3A, %max3A_7 : vector<16xi32>
    %gather3A = tpu.vector_load_idx %arg5[%min3A_8] : memref<64xf32, #tpu.memory_space<vmem>>[vector<16xi32>], vector<16xf32>,
    %add3A_9 = arith.constant 1 : i32
    %add3A_10 = vector.broadcast %add3A_9 : i32 to vector<16xi32>
    %add3A_11 = arith.addi %min3A_8, %add3A_10 : vector<16xi32>
    %gather3A_12 = tpu.vector_load_idx %arg5[%add3A_11] : memref<64xf32, #tpu.memory_space<vmem>>[vector<16xi32>], vector<16xf32>,
    %sub3A_13 = arith.constant 1 : i32
    %sub3A_14 = vector.broadcast %sub3A_13 : i32 to vector<16xi32>
    %sub3A_15 = arith.subi %min3A_8, %sub3A_14 : vector<16xi32>
    %jit3A_16 = arith.constant 0 : i32
    %jit3A_17 = arith.constant 63 : i32
    %max3A_18 = vector.broadcast %jit3A_16 : i32 to vector<16xi32>
    %max3A_19 = arith.maxsi %max3A_18, %sub3A_15 : vector<16xi32>
    %min3A_20 = vector.broadcast %jit3A_17 : i32 to vector<16xi32>
    %min3A_21 = arith.minsi %min3A_20, %max3A_19 : vector<16xi32>
    %gather3A_22 = tpu.vector_load_idx %arg5[%min3A_21] : memref<64xf32, #tpu.memory_space<vmem>>[vector<16xi32>], vector<16xf32>,
    %add3A_23 = arith.constant 2 : i32
    %add3A_24 = vector.broadcast %add3A_23 : i32 to vector<16xi32>
    %add3A_25 = arith.addi %min3A_8, %add3A_24 : vector<16xi32>
    %jit3A_26 = arith.constant 0 : i32
    %jit3A_27 = arith.constant 63 : i32
    %max3A_28 = vector.broadcast %jit3A_26 : i32 to vector<16xi32>
    %max3A_29 = arith.maxsi %max3A_28, %add3A_25 : vector<16xi32>
    %min3A_30 = vector.broadcast %jit3A_27 : i32 to vector<16xi32>
    %min3A_31 = arith.minsi %min3A_30, %max3A_29 : vector<16xi32>
    %gather3A_32 = tpu.vector_load_idx %arg5[%min3A_31] : memref<64xf32, #tpu.memory_space<vmem>>[vector<16xi32>], vector<16xf32>,
    %sub3A_33 = arith.subf %gather3A_12, %gather3A_22 : vector<16xf32>
    %mul3A_34 = arith.constant 5.000000e-01 : f32
    %mul3A_35 = vector.broadcast %mul3A_34 : f32 to vector<16xf32>
    %mul3A_36 = arith.mulf %mul3A_35, %sub3A_33 : vector<16xf32>
    %sub3A_37 = arith.subf %gather3A_32, %gather3A : vector<16xf32>
    %mul3A_38 = arith.constant 5.000000e-01 : f32
    %mul3A_39 = vector.broadcast %mul3A_38 : f32 to vector<16xf32>
    %mul3A_40 = arith.mulf %mul3A_39, %sub3A_37 : vector<16xf32>
    %sub3A_41 = arith.subf %gather3A_12, %gather3A : vector<16xf32>
    %mul3A_42 = arith.constant 3.000000e+00 : f32
    %mul3A_43 = vector.broadcast %mul3A_42 : f32 to vector<16xf32>
    %mul3A_44 = arith.mulf %mul3A_43, %sub3A_41 : vector<16xf32>
    %mul3A_45 = arith.constant 2.000000e+00 : f32
    %mul3A_46 = vector.broadcast %mul3A_45 : f32 to vector<16xf32>
    %mul3A_47 = arith.mulf %mul3A_46, %mul3A_36 : vector<16xf32>
    %sub3A_48 = arith.subf %mul3A_44, %mul3A_47 : vector<16xf32>
    %sub3A_49 = arith.subf %sub3A_48, %mul3A_40 : vector<16xf32>
    %sub3A_50 = arith.subf %gather3A, %gather3A_12 : vector<16xf32>
    %mul3A_51 = arith.constant 2.000000e+00 : f32
    %mul3A_52 = vector.broadcast %mul3A_51 : f32 to vector<16xf32>
    %mul3A_53 = arith.mulf %mul3A_52, %sub3A_50 : vector<16xf32>
    %add3A_54 = arith.addf %mul3A_53, %mul3A_36 : vector<16xf32>
    %add3A_55 = arith.addf %add3A_54, %mul3A_40 : vector<16xf32>
    %convert_element_type3A = arith.sitofp %sub3A_5 : vector<16xi32> to vector<16xf32>
    %sub3A_56 = arith.subf %gather3A_12, %gather3A : vector<16xf32>
    %lt3A = arith.constant 0 : i32
    %lt3A_57 = vector.broadcast %lt3A : i32 to vector<16xi32>
    %lt3A_58 = arith.cmpi slt, %sub3A_5, %lt3A_57 : vector<16xi32>
    %ge3A = arith.constant 63 : i32
    %ge3A_59 = vector.broadcast %ge3A : i32 to vector<16xi32>
    %ge3A_60 = arith.cmpi sge, %sub3A_5, %ge3A_59 : vector<16xi32>
    %or3A = arith.ori %lt3A_58, %ge3A_60 : vector<16xi1>
    %broadcast_in_dim3A = arith.constant 0.000000e+00 : f32
    %broadcast_in_dim3A_61 = vector.broadcast %broadcast_in_dim3A : f32 to vector<16xf32>
    %mul3A_62 = arith.mulf %convert_element_type3A, %sub3A_56 : vector<16xf32>
    %add3A_63 = arith.addf %gather3A, %mul3A_62 : vector<16xf32>
    %sub3A_64 = arith.constant 6.300000e+01 : f32
    %sub3A_65 = vector.broadcast %sub3A_64 : f32 to vector<16xf32>
    %sub3A_66 = arith.subf %convert_element_type3A, %sub3A_65 : vector<16xf32>
    %mul3A_67 = arith.mulf %sub3A_66, %sub3A_56 : vector<16xf32>
    %add3A_68 = arith.addf %gather3A_12, %mul3A_67 : vector<16xf32>
    %select_n3A = arith.select %ge3A_60, %add3A_68, %gather3A : vector<16xi1>, vector<16xf32>
    %select_n3A_69 = arith.select %lt3A_58, %add3A_63, %select_n3A : vector<16xi1>, vector<16xf32>
    %select_n3A_70 = arith.select %or3A, %sub3A_56, %mul3A_36 : vector<16xi1>, vector<16xf32>
    %select_n3A_71 = arith.select %or3A, %broadcast_in_dim3A_61, %sub3A_49 : vector<16xi1>, vector<16xf32>
    %select_n3A_72 = arith.select %or3A, %broadcast_in_dim3A_61, %add3A_55 : vector<16xi1>, vector<16xf32>
    %swap3A = arith.constant 0 : index
    %swap3A_73 = tpu.vector_load %arg6[%swap3A] {strides = array<i32>} : memref<80xf32, #tpu.memory_space<vmem>>, vector<16xf32>,
    tpu.vector_store %arg6[%swap3A], %select_n3A_69 {strides = array<i32>} : memref<80xf32, #tpu.memory_space<vmem>>, vector<16xf32>,
    %swap3A_74 = arith.constant 0 : index
    %swap3A_75 = tpu.vector_load %arg7[%swap3A_74] {strides = array<i32>} : memref<80xf32, #tpu.memory_space<vmem>>, vector<16xf32>,
    tpu.vector_store %arg7[%swap3A_74], %select_n3A_70 {strides = array<i32>} : memref<80xf32, #tpu.memory_space<vmem>>, vector<16xf32>,
    %pack3A = tpu.pack_subelements %select_n3A_71, %select_n3A_72 {pack_format = #tpu.pack_format<interleaved>, positions = array<i32: 0, 1>} : vector<16xf32>, vector<16xf32> -> vector<32xbf16>
    %bitcast3A = vector.bitcast %pack3A : vector<32xbf16> to vector<16xi32>
    %swap3A_76 = arith.constant 0 : index
    %swap3A_77 = tpu.vector_load %arg8[%swap3A_76] {strides = array<i32>} : memref<80xi32, #tpu.memory_space<vmem>>, vector<16xi32>,
    tpu.vector_store %arg8[%swap3A_76], %bitcast3A {strides = array<i32>} : memref<80xi32, #tpu.memory_space<vmem>>, vector<16xi32>,
    %iota3A_78 = tpu.iota {dimensions = array<i32: 0>} : vector<16xi32>
    %add3A_79 = arith.constant 16 : i32
    %add3A_80 = vector.broadcast %add3A_79 : i32 to vector<16xi32>
    %add3A_81 = arith.addi %iota3A_78, %add3A_80 : vector<16xi32>
    %sub3A_82 = arith.constant 8 : i32
    %sub3A_83 = vector.broadcast %sub3A_82 : i32 to vector<16xi32>
    %sub3A_84 = arith.subi %add3A_81, %sub3A_83 : vector<16xi32>
    %jit3A_85 = arith.constant 0 : i32
    %jit3A_86 = arith.constant 62 : i32
    %max3A_87 = vector.broadcast %jit3A_85 : i32 to vector<16xi32>
    %max3A_88 = arith.maxsi %max3A_87, %sub3A_84 : vector<16xi32>
    %min3A_89 = vector.broadcast %jit3A_86 : i32 to vector<16xi32>
    %min3A_90 = arith.minsi %min3A_89, %max3A_88 : vector<16xi32>
    %gather3A_91 = tpu.vector_load_idx %arg5[%min3A_90] : memref<64xf32, #tpu.memory_space<vmem>>[vector<16xi32>], vector<16xf32>,
    %add3A_92 = arith.constant 1 : i32
    %add3A_93 = vector.broadcast %add3A_92 : i32 to vector<16xi32>
    %add3A_94 = arith.addi %min3A_90, %add3A_93 : vector<16xi32>
    %gather3A_95 = tpu.vector_load_idx %arg5[%add3A_94] : memref<64xf32, #tpu.memory_space<vmem>>[vector<16xi32>], vector<16xf32>,
    %sub3A_96 = arith.constant 1 : i32
    %sub3A_97 = vector.broadcast %sub3A_96 : i32 to vector<16xi32>
    %sub3A_98 = arith.subi %min3A_90, %sub3A_97 : vector<16xi32>
    %jit3A_99 = arith.constant 0 : i32
    %jit3A_100 = arith.constant 63 : i32
    %max3A_101 = vector.broadcast %jit3A_99 : i32 to vector<16xi32>
    %max3A_102 = arith.maxsi %max3A_101, %sub3A_98 : vector<16xi32>
    %min3A_103 = vector.broadcast %jit3A_100 : i32 to vector<16xi32>
    %min3A_104 = arith.minsi %min3A_103, %max3A_102 : vector<16xi32>
    %gather3A_105 = tpu.vector_load_idx %arg5[%min3A_104] : memref<64xf32, #tpu.memory_space<vmem>>[vector<16xi32>], vector<16xf32>,
    %add3A_106 = arith.constant 2 : i32
    %add3A_107 = vector.broadcast %add3A_106 : i32 to vector<16xi32>
    %add3A_108 = arith.addi %min3A_90, %add3A_107 : vector<16xi32>
    %jit3A_109 = arith.constant 0 : i32
    %jit3A_110 = arith.constant 63 : i32
    %max3A_111 = vector.broadcast %jit3A_109 : i32 to vector<16xi32>
    %max3A_112 = arith.maxsi %max3A_111, %add3A_108 : vector<16xi32>
    %min3A_113 = vector.broadcast %jit3A_110 : i32 to vector<16xi32>
    %min3A_114 = arith.minsi %min3A_113, %max3A_112 : vector<16xi32>
    %gather3A_115 = tpu.vector_load_idx %arg5[%min3A_114] : memref<64xf32, #tpu.memory_space<vmem>>[vector<16xi32>], vector<16xf32>,
    %sub3A_116 = arith.subf %gather3A_95, %gather3A_105 : vector<16xf32>
    %mul3A_117 = arith.constant 5.000000e-01 : f32
    %mul3A_118 = vector.broadcast %mul3A_117 : f32 to vector<16xf32>
    %mul3A_119 = arith.mulf %mul3A_118, %sub3A_116 : vector<16xf32>
    %sub3A_120 = arith.subf %gather3A_115, %gather3A_91 : vector<16xf32>
    %mul3A_121 = arith.constant 5.000000e-01 : f32
    %mul3A_122 = vector.broadcast %mul3A_121 : f32 to vector<16xf32>
    %mul3A_123 = arith.mulf %mul3A_122, %sub3A_120 : vector<16xf32>
    %sub3A_124 = arith.subf %gather3A_95, %gather3A_91 : vector<16xf32>
    %mul3A_125 = arith.constant 3.000000e+00 : f32
    %mul3A_126 = vector.broadcast %mul3A_125 : f32 to vector<16xf32>
    %mul3A_127 = arith.mulf %mul3A_126, %sub3A_124 : vector<16xf32>
    %mul3A_128 = arith.constant 2.000000e+00 : f32
    %mul3A_129 = vector.broadcast %mul3A_128 : f32 to vector<16xf32>
    %mul3A_130 = arith.mulf %mul3A_129, %mul3A_119 : vector<16xf32>
    %sub3A_131 = arith.subf %mul3A_127, %mul3A_130 : vector<16xf32>
    %sub3A_132 = arith.subf %sub3A_131, %mul3A_123 : vector<16xf32>
    %sub3A_133 = arith.subf %gather3A_91, %gather3A_95 : vector<16xf32>
    %mul3A_134 = arith.constant 2.000000e+00 : f32
    %mul3A_135 = vector.broadcast %mul3A_134 : f32 to vector<16xf32>
    %mul3A_136 = arith.mulf %mul3A_135, %sub3A_133 : vector<16xf32>
    %add3A_137 = arith.addf %mul3A_136, %mul3A_119 : vector<16xf32>
    %add3A_138 = arith.addf %add3A_137, %mul3A_123 : vector<16xf32>
    %convert_element_type3A_139 = arith.sitofp %sub3A_84 : vector<16xi32> to vector<16xf32>
    %sub3A_140 = arith.subf %gather3A_95, %gather3A_91 : vector<16xf32>
    %lt3A_141 = arith.constant 0 : i32
    %lt3A_142 = vector.broadcast %lt3A_141 : i32 to vector<16xi32>
    %lt3A_143 = arith.cmpi slt, %sub3A_84, %lt3A_142 : vector<16xi32>
    %ge3A_144 = arith.constant 63 : i32
    %ge3A_145 = vector.broadcast %ge3A_144 : i32 to vector<16xi32>
    %ge3A_146 = arith.cmpi sge, %sub3A_84, %ge3A_145 : vector<16xi32>
    %or3A_147 = arith.ori %lt3A_143, %ge3A_146 : vector<16xi1>
    %broadcast_in_dim3A_148 = arith.constant 0.000000e+00 : f32
    %broadcast_in_dim3A_149 = vector.broadcast %broadcast_in_dim3A_148 : f32 to vector<16xf32>
    %mul3A_150 = arith.mulf %convert_element_type3A_139, %sub3A_140 : vector<16xf32>
    %add3A_151 = arith.addf %gather3A_91, %mul3A_150 : vector<16xf32>
    %sub3A_152 = arith.constant 6.300000e+01 : f32
    %sub3A_153 = vector.broadcast %sub3A_152 : f32 to vector<16xf32>
    %sub3A_154 = arith.subf %convert_element_type3A_139, %sub3A_153 : vector<16xf32>
    %mul3A_155 = arith.mulf %sub3A_154, %sub3A_140 : vector<16xf32>
    %add3A_156 = arith.addf %gather3A_95, %mul3A_155 : vector<16xf32>
    %select_n3A_157 = arith.select %ge3A_146, %add3A_156, %gather3A_91 : vector<16xi1>, vector<16xf32>
    %select_n3A_158 = arith.select %lt3A_143, %add3A_151, %select_n3A_157 : vector<16xi1>, vector<16xf32>
    %select_n3A_159 = arith.select %or3A_147, %sub3A_140, %mul3A_119 : vector<16xi1>, vector<16xf32>
    %select_n3A_160 = arith.select %or3A_147, %broadcast_in_dim3A_149, %sub3A_132 : vector<16xi1>, vector<16xf32>
    %select_n3A_161 = arith.select %or3A_147, %broadcast_in_dim3A_149, %add3A_138 : vector<16xi1>, vector<16xf32>
    %swap3A_162 = arith.constant 16 : index
    %swap3A_163 = tpu.vector_load %arg6[%swap3A_162] {strides = array<i32>} : memref<80xf32, #tpu.memory_space<vmem>>, vector<16xf32>,
    tpu.vector_store %arg6[%swap3A_162], %select_n3A_158 {strides = array<i32>} : memref<80xf32, #tpu.memory_space<vmem>>, vector<16xf32>,
    %swap3A_164 = arith.constant 16 : index
    %swap3A_165 = tpu.vector_load %arg7[%swap3A_164] {strides = array<i32>} : memref<80xf32, #tpu.memory_space<vmem>>, vector<16xf32>,
    tpu.vector_store %arg7[%swap3A_164], %select_n3A_159 {strides = array<i32>} : memref<80xf32, #tpu.memory_space<vmem>>, vector<16xf32>,
    %pack3A_166 = tpu.pack_subelements %select_n3A_160, %select_n3A_161 {pack_format = #tpu.pack_format<interleaved>, positions = array<i32: 0, 1>} : vector<16xf32>, vector<16xf32> -> vector<32xbf16>
    %bitcast3A_167 = vector.bitcast %pack3A_166 : vector<32xbf16> to vector<16xi32>
    %swap3A_168 = arith.constant 16 : index
    %swap3A_169 = tpu.vector_load %arg8[%swap3A_168] {strides = array<i32>} : memref<80xi32, #tpu.memory_space<vmem>>, vector<16xi32>,
    tpu.vector_store %arg8[%swap3A_168], %bitcast3A_167 {strides = array<i32>} : memref<80xi32, #tpu.memory_space<vmem>>, vector<16xi32>,
    %iota3A_170 = tpu.iota {dimensions = array<i32: 0>} : vector<16xi32>
    %add3A_171 = arith.constant 32 : i32
    %add3A_172 = vector.broadcast %add3A_171 : i32 to vector<16xi32>
    %add3A_173 = arith.addi %iota3A_170, %add3A_172 : vector<16xi32>
    %sub3A_174 = arith.constant 8 : i32
    %sub3A_175 = vector.broadcast %sub3A_174 : i32 to vector<16xi32>
    %sub3A_176 = arith.subi %add3A_173, %sub3A_175 : vector<16xi32>
    %jit3A_177 = arith.constant 0 : i32
    %jit3A_178 = arith.constant 62 : i32
    %max3A_179 = vector.broadcast %jit3A_177 : i32 to vector<16xi32>
    %max3A_180 = arith.maxsi %max3A_179, %sub3A_176 : vector<16xi32>
    %min3A_181 = vector.broadcast %jit3A_178 : i32 to vector<16xi32>
    %min3A_182 = arith.minsi %min3A_181, %max3A_180 : vector<16xi32>
    %gather3A_183 = tpu.vector_load_idx %arg5[%min3A_182] : memref<64xf32, #tpu.memory_space<vmem>>[vector<16xi32>], vector<16xf32>,
    %add3A_184 = arith.constant 1 : i32
    %add3A_185 = vector.broadcast %add3A_184 : i32 to vector<16xi32>
    %add3A_186 = arith.addi %min3A_182, %add3A_185 : vector<16xi32>
    %gather3A_187 = tpu.vector_load_idx %arg5[%add3A_186] : memref<64xf32, #tpu.memory_space<vmem>>[vector<16xi32>], vector<16xf32>,
    %sub3A_188 = arith.constant 1 : i32
    %sub3A_189 = vector.broadcast %sub3A_188 : i32 to vector<16xi32>
    %sub3A_190 = arith.subi %min3A_182, %sub3A_189 : vector<16xi32>
    %jit3A_191 = arith.constant 0 : i32
    %jit3A_192 = arith.constant 63 : i32
    %max3A_193 = vector.broadcast %jit3A_191 : i32 to vector<16xi32>
    %max3A_194 = arith.maxsi %max3A_193, %sub3A_190 : vector<16xi32>
    %min3A_195 = vector.broadcast %jit3A_192 : i32 to vector<16xi32>
    %min3A_196 = arith.minsi %min3A_195, %max3A_194 : vector<16xi32>
    %gather3A_197 = tpu.vector_load_idx %arg5[%min3A_196] : memref<64xf32, #tpu.memory_space<vmem>>[vector<16xi32>], vector<16xf32>,
    %add3A_198 = arith.constant 2 : i32
    %add3A_199 = vector.broadcast %add3A_198 : i32 to vector<16xi32>
    %add3A_200 = arith.addi %min3A_182, %add3A_199 : vector<16xi32>
    %jit3A_201 = arith.constant 0 : i32
    %jit3A_202 = arith.constant 63 : i32
    %max3A_203 = vector.broadcast %jit3A_201 : i32 to vector<16xi32>
    %max3A_204 = arith.maxsi %max3A_203, %add3A_200 : vector<16xi32>
    %min3A_205 = vector.broadcast %jit3A_202 : i32 to vector<16xi32>
    %min3A_206 = arith.minsi %min3A_205, %max3A_204 : vector<16xi32>
    %gather3A_207 = tpu.vector_load_idx %arg5[%min3A_206] : memref<64xf32, #tpu.memory_space<vmem>>[vector<16xi32>], vector<16xf32>,
    %sub3A_208 = arith.subf %gather3A_187, %gather3A_197 : vector<16xf32>
    %mul3A_209 = arith.constant 5.000000e-01 : f32
    %mul3A_210 = vector.broadcast %mul3A_209 : f32 to vector<16xf32>
    %mul3A_211 = arith.mulf %mul3A_210, %sub3A_208 : vector<16xf32>
    %sub3A_212 = arith.subf %gather3A_207, %gather3A_183 : vector<16xf32>
    %mul3A_213 = arith.constant 5.000000e-01 : f32
    %mul3A_214 = vector.broadcast %mul3A_213 : f32 to vector<16xf32>
    %mul3A_215 = arith.mulf %mul3A_214, %sub3A_212 : vector<16xf32>
    %sub3A_216 = arith.subf %gather3A_187, %gather3A_183 : vector<16xf32>
    %mul3A_217 = arith.constant 3.000000e+00 : f32
    %mul3A_218 = vector.broadcast %mul3A_217 : f32 to vector<16xf32>
    %mul3A_219 = arith.mulf %mul3A_218, %sub3A_216 : vector<16xf32>
    %mul3A_220 = arith.constant 2.000000e+00 : f32
    %mul3A_221 = vector.broadcast %mul3A_220 : f32 to vector<16xf32>
    %mul3A_222 = arith.mulf %mul3A_221, %mul3A_211 : vector<16xf32>
    %sub3A_223 = arith.subf %mul3A_219, %mul3A_222 : vector<16xf32>
    %sub3A_224 = arith.subf %sub3A_223, %mul3A_215 : vector<16xf32>
    %sub3A_225 = arith.subf %gather3A_183, %gather3A_187 : vector<16xf32>
    %mul3A_226 = arith.constant 2.000000e+00 : f32
    %mul3A_227 = vector.broadcast %mul3A_226 : f32 to vector<16xf32>
    %mul3A_228 = arith.mulf %mul3A_227, %sub3A_225 : vector<16xf32>
    %add3A_229 = arith.addf %mul3A_228, %mul3A_211 : vector<16xf32>
    %add3A_230 = arith.addf %add3A_229, %mul3A_215 : vector<16xf32>
    %convert_element_type3A_231 = arith.sitofp %sub3A_176 : vector<16xi32> to vector<16xf32>
    %sub3A_232 = arith.subf %gather3A_187, %gather3A_183 : vector<16xf32>
    %lt3A_233 = arith.constant 0 : i32
    %lt3A_234 = vector.broadcast %lt3A_233 : i32 to vector<16xi32>
    %lt3A_235 = arith.cmpi slt, %sub3A_176, %lt3A_234 : vector<16xi32>
    %ge3A_236 = arith.constant 63 : i32
    %ge3A_237 = vector.broadcast %ge3A_236 : i32 to vector<16xi32>
    %ge3A_238 = arith.cmpi sge, %sub3A_176, %ge3A_237 : vector<16xi32>
    %or3A_239 = arith.ori %lt3A_235, %ge3A_238 : vector<16xi1>
    %broadcast_in_dim3A_240 = arith.constant 0.000000e+00 : f32
    %broadcast_in_dim3A_241 = vector.broadcast %broadcast_in_dim3A_240 : f32 to vector<16xf32>
    %mul3A_242 = arith.mulf %convert_element_type3A_231, %sub3A_232 : vector<16xf32>
    %add3A_243 = arith.addf %gather3A_183, %mul3A_242 : vector<16xf32>
    %sub3A_244 = arith.constant 6.300000e+01 : f32
    %sub3A_245 = vector.broadcast %sub3A_244 : f32 to vector<16xf32>
    %sub3A_246 = arith.subf %convert_element_type3A_231, %sub3A_245 : vector<16xf32>
    %mul3A_247 = arith.mulf %sub3A_246, %sub3A_232 : vector<16xf32>
    %add3A_248 = arith.addf %gather3A_187, %mul3A_247 : vector<16xf32>
    %select_n3A_249 = arith.select %ge3A_238, %add3A_248, %gather3A_183 : vector<16xi1>, vector<16xf32>
    %select_n3A_250 = arith.select %lt3A_235, %add3A_243, %select_n3A_249 : vector<16xi1>, vector<16xf32>
    %select_n3A_251 = arith.select %or3A_239, %sub3A_232, %mul3A_211 : vector<16xi1>, vector<16xf32>
    %select_n3A_252 = arith.select %or3A_239, %broadcast_in_dim3A_241, %sub3A_224 : vector<16xi1>, vector<16xf32>
    %select_n3A_253 = arith.select %or3A_239, %broadcast_in_dim3A_241, %add3A_230 : vector<16xi1>, vector<16xf32>
    %swap3A_254 = arith.constant 32 : index
    %swap3A_255 = tpu.vector_load %arg6[%swap3A_254] {strides = array<i32>} : memref<80xf32, #tpu.memory_space<vmem>>, vector<16xf32>,
    tpu.vector_store %arg6[%swap3A_254], %select_n3A_250 {strides = array<i32>} : memref<80xf32, #tpu.memory_space<vmem>>, vector<16xf32>,
    %swap3A_256 = arith.constant 32 : index
    %swap3A_257 = tpu.vector_load %arg7[%swap3A_256] {strides = array<i32>} : memref<80xf32, #tpu.memory_space<vmem>>, vector<16xf32>,
    tpu.vector_store %arg7[%swap3A_256], %select_n3A_251 {strides = array<i32>} : memref<80xf32, #tpu.memory_space<vmem>>, vector<16xf32>,
    %pack3A_258 = tpu.pack_subelements %select_n3A_252, %select_n3A_253 {pack_format = #tpu.pack_format<interleaved>, positions = array<i32: 0, 1>} : vector<16xf32>, vector<16xf32> -> vector<32xbf16>
    %bitcast3A_259 = vector.bitcast %pack3A_258 : vector<32xbf16> to vector<16xi32>
    %swap3A_260 = arith.constant 32 : index
    %swap3A_261 = tpu.vector_load %arg8[%swap3A_260] {strides = array<i32>} : memref<80xi32, #tpu.memory_space<vmem>>, vector<16xi32>,
    tpu.vector_store %arg8[%swap3A_260], %bitcast3A_259 {strides = array<i32>} : memref<80xi32, #tpu.memory_space<vmem>>, vector<16xi32>,
    %iota3A_262 = tpu.iota {dimensions = array<i32: 0>} : vector<16xi32>
    %add3A_263 = arith.constant 48 : i32
    %add3A_264 = vector.broadcast %add3A_263 : i32 to vector<16xi32>
    %add3A_265 = arith.addi %iota3A_262, %add3A_264 : vector<16xi32>
    %sub3A_266 = arith.constant 8 : i32
    %sub3A_267 = vector.broadcast %sub3A_266 : i32 to vector<16xi32>
    %sub3A_268 = arith.subi %add3A_265, %sub3A_267 : vector<16xi32>
    %jit3A_269 = arith.constant 0 : i32
    %jit3A_270 = arith.constant 62 : i32
    %max3A_271 = vector.broadcast %jit3A_269 : i32 to vector<16xi32>
    %max3A_272 = arith.maxsi %max3A_271, %sub3A_268 : vector<16xi32>
    %min3A_273 = vector.broadcast %jit3A_270 : i32 to vector<16xi32>
    %min3A_274 = arith.minsi %min3A_273, %max3A_272 : vector<16xi32>
    %gather3A_275 = tpu.vector_load_idx %arg5[%min3A_274] : memref<64xf32, #tpu.memory_space<vmem>>[vector<16xi32>], vector<16xf32>,
    %add3A_276 = arith.constant 1 : i32
    %add3A_277 = vector.broadcast %add3A_276 : i32 to vector<16xi32>
    %add3A_278 = arith.addi %min3A_274, %add3A_277 : vector<16xi32>
    %gather3A_279 = tpu.vector_load_idx %arg5[%add3A_278] : memref<64xf32, #tpu.memory_space<vmem>>[vector<16xi32>], vector<16xf32>,
    %sub3A_280 = arith.constant 1 : i32
    %sub3A_281 = vector.broadcast %sub3A_280 : i32 to vector<16xi32>
    %sub3A_282 = arith.subi %min3A_274, %sub3A_281 : vector<16xi32>
    %jit3A_283 = arith.constant 0 : i32
    %jit3A_284 = arith.constant 63 : i32
    %max3A_285 = vector.broadcast %jit3A_283 : i32 to vector<16xi32>
    %max3A_286 = arith.maxsi %max3A_285, %sub3A_282 : vector<16xi32>
    %min3A_287 = vector.broadcast %jit3A_284 : i32 to vector<16xi32>
    %min3A_288 = arith.minsi %min3A_287, %max3A_286 : vector<16xi32>
    %gather3A_289 = tpu.vector_load_idx %arg5[%min3A_288] : memref<64xf32, #tpu.memory_space<vmem>>[vector<16xi32>], vector<16xf32>,
    %add3A_290 = arith.constant 2 : i32
    %add3A_291 = vector.broadcast %add3A_290 : i32 to vector<16xi32>
    %add3A_292 = arith.addi %min3A_274, %add3A_291 : vector<16xi32>
    %jit3A_293 = arith.constant 0 : i32
    %jit3A_294 = arith.constant 63 : i32
    %max3A_295 = vector.broadcast %jit3A_293 : i32 to vector<16xi32>
    %max3A_296 = arith.maxsi %max3A_295, %add3A_292 : vector<16xi32>
    %min3A_297 = vector.broadcast %jit3A_294 : i32 to vector<16xi32>
    %min3A_298 = arith.minsi %min3A_297, %max3A_296 : vector<16xi32>
    %gather3A_299 = tpu.vector_load_idx %arg5[%min3A_298] : memref<64xf32, #tpu.memory_space<vmem>>[vector<16xi32>], vector<16xf32>,
    %sub3A_300 = arith.subf %gather3A_279, %gather3A_289 : vector<16xf32>
    %mul3A_301 = arith.constant 5.000000e-01 : f32
    %mul3A_302 = vector.broadcast %mul3A_301 : f32 to vector<16xf32>
    %mul3A_303 = arith.mulf %mul3A_302, %sub3A_300 : vector<16xf32>
    %sub3A_304 = arith.subf %gather3A_299, %gather3A_275 : vector<16xf32>
    %mul3A_305 = arith.constant 5.000000e-01 : f32
    %mul3A_306 = vector.broadcast %mul3A_305 : f32 to vector<16xf32>
    %mul3A_307 = arith.mulf %mul3A_306, %sub3A_304 : vector<16xf32>
    %sub3A_308 = arith.subf %gather3A_279, %gather3A_275 : vector<16xf32>
    %mul3A_309 = arith.constant 3.000000e+00 : f32
    %mul3A_310 = vector.broadcast %mul3A_309 : f32 to vector<16xf32>
    %mul3A_311 = arith.mulf %mul3A_310, %sub3A_308 : vector<16xf32>
    %mul3A_312 = arith.constant 2.000000e+00 : f32
    %mul3A_313 = vector.broadcast %mul3A_312 : f32 to vector<16xf32>
    %mul3A_314 = arith.mulf %mul3A_313, %mul3A_303 : vector<16xf32>
    %sub3A_315 = arith.subf %mul3A_311, %mul3A_314 : vector<16xf32>
    %sub3A_316 = arith.subf %sub3A_315, %mul3A_307 : vector<16xf32>
    %sub3A_317 = arith.subf %gather3A_275, %gather3A_279 : vector<16xf32>
    %mul3A_318 = arith.constant 2.000000e+00 : f32
    %mul3A_319 = vector.broadcast %mul3A_318 : f32 to vector<16xf32>
    %mul3A_320 = arith.mulf %mul3A_319, %sub3A_317 : vector<16xf32>
    %add3A_321 = arith.addf %mul3A_320, %mul3A_303 : vector<16xf32>
    %add3A_322 = arith.addf %add3A_321, %mul3A_307 : vector<16xf32>
    %convert_element_type3A_323 = arith.sitofp %sub3A_268 : vector<16xi32> to vector<16xf32>
    %sub3A_324 = arith.subf %gather3A_279, %gather3A_275 : vector<16xf32>
    %lt3A_325 = arith.constant 0 : i32
    %lt3A_326 = vector.broadcast %lt3A_325 : i32 to vector<16xi32>
    %lt3A_327 = arith.cmpi slt, %sub3A_268, %lt3A_326 : vector<16xi32>
    %ge3A_328 = arith.constant 63 : i32
    %ge3A_329 = vector.broadcast %ge3A_328 : i32 to vector<16xi32>
    %ge3A_330 = arith.cmpi sge, %sub3A_268, %ge3A_329 : vector<16xi32>
    %or3A_331 = arith.ori %lt3A_327, %ge3A_330 : vector<16xi1>
    %broadcast_in_dim3A_332 = arith.constant 0.000000e+00 : f32
    %broadcast_in_dim3A_333 = vector.broadcast %broadcast_in_dim3A_332 : f32 to vector<16xf32>
    %mul3A_334 = arith.mulf %convert_element_type3A_323, %sub3A_324 : vector<16xf32>
    %add3A_335 = arith.addf %gather3A_275, %mul3A_334 : vector<16xf32>
    %sub3A_336 = arith.constant 6.300000e+01 : f32
    %sub3A_337 = vector.broadcast %sub3A_336 : f32 to vector<16xf32>
    %sub3A_338 = arith.subf %convert_element_type3A_323, %sub3A_337 : vector<16xf32>
    %mul3A_339 = arith.mulf %sub3A_338, %sub3A_324 : vector<16xf32>
    %add3A_340 = arith.addf %gather3A_279, %mul3A_339 : vector<16xf32>
    %select_n3A_341 = arith.select %ge3A_330, %add3A_340, %gather3A_275 : vector<16xi1>, vector<16xf32>
    %select_n3A_342 = arith.select %lt3A_327, %add3A_335, %select_n3A_341 : vector<16xi1>, vector<16xf32>
    %select_n3A_343 = arith.select %or3A_331, %sub3A_324, %mul3A_303 : vector<16xi1>, vector<16xf32>
    %select_n3A_344 = arith.select %or3A_331, %broadcast_in_dim3A_333, %sub3A_316 : vector<16xi1>, vector<16xf32>
    %select_n3A_345 = arith.select %or3A_331, %broadcast_in_dim3A_333, %add3A_322 : vector<16xi1>, vector<16xf32>
    %swap3A_346 = arith.constant 48 : index
    %swap3A_347 = tpu.vector_load %arg6[%swap3A_346] {strides = array<i32>} : memref<80xf32, #tpu.memory_space<vmem>>, vector<16xf32>,
    tpu.vector_store %arg6[%swap3A_346], %select_n3A_342 {strides = array<i32>} : memref<80xf32, #tpu.memory_space<vmem>>, vector<16xf32>,
    %swap3A_348 = arith.constant 48 : index
    %swap3A_349 = tpu.vector_load %arg7[%swap3A_348] {strides = array<i32>} : memref<80xf32, #tpu.memory_space<vmem>>, vector<16xf32>,
    tpu.vector_store %arg7[%swap3A_348], %select_n3A_343 {strides = array<i32>} : memref<80xf32, #tpu.memory_space<vmem>>, vector<16xf32>,
    %pack3A_350 = tpu.pack_subelements %select_n3A_344, %select_n3A_345 {pack_format = #tpu.pack_format<interleaved>, positions = array<i32: 0, 1>} : vector<16xf32>, vector<16xf32> -> vector<32xbf16>
    %bitcast3A_351 = vector.bitcast %pack3A_350 : vector<32xbf16> to vector<16xi32>
    %swap3A_352 = arith.constant 48 : index
    %swap3A_353 = tpu.vector_load %arg8[%swap3A_352] {strides = array<i32>} : memref<80xi32, #tpu.memory_space<vmem>>, vector<16xi32>,
    tpu.vector_store %arg8[%swap3A_352], %bitcast3A_351 {strides = array<i32>} : memref<80xi32, #tpu.memory_space<vmem>>, vector<16xi32>,
    %iota3A_354 = tpu.iota {dimensions = array<i32: 0>} : vector<16xi32>
    %add3A_355 = arith.constant 64 : i32
    %add3A_356 = vector.broadcast %add3A_355 : i32 to vector<16xi32>
    %add3A_357 = arith.addi %iota3A_354, %add3A_356 : vector<16xi32>
    %sub3A_358 = arith.constant 8 : i32
    %sub3A_359 = vector.broadcast %sub3A_358 : i32 to vector<16xi32>
    %sub3A_360 = arith.subi %add3A_357, %sub3A_359 : vector<16xi32>
    %jit3A_361 = arith.constant 0 : i32
    %jit3A_362 = arith.constant 62 : i32
    %max3A_363 = vector.broadcast %jit3A_361 : i32 to vector<16xi32>
    %max3A_364 = arith.maxsi %max3A_363, %sub3A_360 : vector<16xi32>
    %min3A_365 = vector.broadcast %jit3A_362 : i32 to vector<16xi32>
    %min3A_366 = arith.minsi %min3A_365, %max3A_364 : vector<16xi32>
    %gather3A_367 = tpu.vector_load_idx %arg5[%min3A_366] : memref<64xf32, #tpu.memory_space<vmem>>[vector<16xi32>], vector<16xf32>,
    %add3A_368 = arith.constant 1 : i32
    %add3A_369 = vector.broadcast %add3A_368 : i32 to vector<16xi32>
    %add3A_370 = arith.addi %min3A_366, %add3A_369 : vector<16xi32>
    %gather3A_371 = tpu.vector_load_idx %arg5[%add3A_370] : memref<64xf32, #tpu.memory_space<vmem>>[vector<16xi32>], vector<16xf32>,
    %sub3A_372 = arith.constant 1 : i32
    %sub3A_373 = vector.broadcast %sub3A_372 : i32 to vector<16xi32>
    %sub3A_374 = arith.subi %min3A_366, %sub3A_373 : vector<16xi32>
    %jit3A_375 = arith.constant 0 : i32
    %jit3A_376 = arith.constant 63 : i32
    %max3A_377 = vector.broadcast %jit3A_375 : i32 to vector<16xi32>
    %max3A_378 = arith.maxsi %max3A_377, %sub3A_374 : vector<16xi32>
    %min3A_379 = vector.broadcast %jit3A_376 : i32 to vector<16xi32>
    %min3A_380 = arith.minsi %min3A_379, %max3A_378 : vector<16xi32>
    %gather3A_381 = tpu.vector_load_idx %arg5[%min3A_380] : memref<64xf32, #tpu.memory_space<vmem>>[vector<16xi32>], vector<16xf32>,
    %add3A_382 = arith.constant 2 : i32
    %add3A_383 = vector.broadcast %add3A_382 : i32 to vector<16xi32>
    %add3A_384 = arith.addi %min3A_366, %add3A_383 : vector<16xi32>
    %jit3A_385 = arith.constant 0 : i32
    %jit3A_386 = arith.constant 63 : i32
    %max3A_387 = vector.broadcast %jit3A_385 : i32 to vector<16xi32>
    %max3A_388 = arith.maxsi %max3A_387, %add3A_384 : vector<16xi32>
    %min3A_389 = vector.broadcast %jit3A_386 : i32 to vector<16xi32>
    %min3A_390 = arith.minsi %min3A_389, %max3A_388 : vector<16xi32>
    %gather3A_391 = tpu.vector_load_idx %arg5[%min3A_390] : memref<64xf32, #tpu.memory_space<vmem>>[vector<16xi32>], vector<16xf32>,
    %sub3A_392 = arith.subf %gather3A_371, %gather3A_381 : vector<16xf32>
    %mul3A_393 = arith.constant 5.000000e-01 : f32
    %mul3A_394 = vector.broadcast %mul3A_393 : f32 to vector<16xf32>
    %mul3A_395 = arith.mulf %mul3A_394, %sub3A_392 : vector<16xf32>
    %sub3A_396 = arith.subf %gather3A_391, %gather3A_367 : vector<16xf32>
    %mul3A_397 = arith.constant 5.000000e-01 : f32
    %mul3A_398 = vector.broadcast %mul3A_397 : f32 to vector<16xf32>
    %mul3A_399 = arith.mulf %mul3A_398, %sub3A_396 : vector<16xf32>
    %sub3A_400 = arith.subf %gather3A_371, %gather3A_367 : vector<16xf32>
    %mul3A_401 = arith.constant 3.000000e+00 : f32
    %mul3A_402 = vector.broadcast %mul3A_401 : f32 to vector<16xf32>
    %mul3A_403 = arith.mulf %mul3A_402, %sub3A_400 : vector<16xf32>
    %mul3A_404 = arith.constant 2.000000e+00 : f32
    %mul3A_405 = vector.broadcast %mul3A_404 : f32 to vector<16xf32>
    %mul3A_406 = arith.mulf %mul3A_405, %mul3A_395 : vector<16xf32>
    %sub3A_407 = arith.subf %mul3A_403, %mul3A_406 : vector<16xf32>
    %sub3A_408 = arith.subf %sub3A_407, %mul3A_399 : vector<16xf32>
    %sub3A_409 = arith.subf %gather3A_367, %gather3A_371 : vector<16xf32>
    %mul3A_410 = arith.constant 2.000000e+00 : f32
    %mul3A_411 = vector.broadcast %mul3A_410 : f32 to vector<16xf32>
    %mul3A_412 = arith.mulf %mul3A_411, %sub3A_409 : vector<16xf32>
    %add3A_413 = arith.addf %mul3A_412, %mul3A_395 : vector<16xf32>
    %add3A_414 = arith.addf %add3A_413, %mul3A_399 : vector<16xf32>
    %convert_element_type3A_415 = arith.sitofp %sub3A_360 : vector<16xi32> to vector<16xf32>
    %sub3A_416 = arith.subf %gather3A_371, %gather3A_367 : vector<16xf32>
    %lt3A_417 = arith.constant 0 : i32
    %lt3A_418 = vector.broadcast %lt3A_417 : i32 to vector<16xi32>
    %lt3A_419 = arith.cmpi slt, %sub3A_360, %lt3A_418 : vector<16xi32>
    %ge3A_420 = arith.constant 63 : i32
    %ge3A_421 = vector.broadcast %ge3A_420 : i32 to vector<16xi32>
    %ge3A_422 = arith.cmpi sge, %sub3A_360, %ge3A_421 : vector<16xi32>
    %or3A_423 = arith.ori %lt3A_419, %ge3A_422 : vector<16xi1>
    %broadcast_in_dim3A_424 = arith.constant 0.000000e+00 : f32
    %broadcast_in_dim3A_425 = vector.broadcast %broadcast_in_dim3A_424 : f32 to vector<16xf32>
    %mul3A_426 = arith.mulf %convert_element_type3A_415, %sub3A_416 : vector<16xf32>
    %add3A_427 = arith.addf %gather3A_367, %mul3A_426 : vector<16xf32>
    %sub3A_428 = arith.constant 6.300000e+01 : f32
    %sub3A_429 = vector.broadcast %sub3A_428 : f32 to vector<16xf32>
    %sub3A_430 = arith.subf %convert_element_type3A_415, %sub3A_429 : vector<16xf32>
    %mul3A_431 = arith.mulf %sub3A_430, %sub3A_416 : vector<16xf32>
    %add3A_432 = arith.addf %gather3A_371, %mul3A_431 : vector<16xf32>
    %select_n3A_433 = arith.select %ge3A_422, %add3A_432, %gather3A_367 : vector<16xi1>, vector<16xf32>
    %select_n3A_434 = arith.select %lt3A_419, %add3A_427, %select_n3A_433 : vector<16xi1>, vector<16xf32>
    %select_n3A_435 = arith.select %or3A_423, %sub3A_416, %mul3A_395 : vector<16xi1>, vector<16xf32>
    %select_n3A_436 = arith.select %or3A_423, %broadcast_in_dim3A_425, %sub3A_408 : vector<16xi1>, vector<16xf32>
    %select_n3A_437 = arith.select %or3A_423, %broadcast_in_dim3A_425, %add3A_414 : vector<16xi1>, vector<16xf32>
    %swap3A_438 = arith.constant 64 : index
    %swap3A_439 = tpu.vector_load %arg6[%swap3A_438] {strides = array<i32>} : memref<80xf32, #tpu.memory_space<vmem>>, vector<16xf32>,
    tpu.vector_store %arg6[%swap3A_438], %select_n3A_434 {strides = array<i32>} : memref<80xf32, #tpu.memory_space<vmem>>, vector<16xf32>,
    %swap3A_440 = arith.constant 64 : index
    %swap3A_441 = tpu.vector_load %arg7[%swap3A_440] {strides = array<i32>} : memref<80xf32, #tpu.memory_space<vmem>>, vector<16xf32>,
    tpu.vector_store %arg7[%swap3A_440], %select_n3A_435 {strides = array<i32>} : memref<80xf32, #tpu.memory_space<vmem>>, vector<16xf32>,
    %pack3A_442 = tpu.pack_subelements %select_n3A_436, %select_n3A_437 {pack_format = #tpu.pack_format<interleaved>, positions = array<i32: 0, 1>} : vector<16xf32>, vector<16xf32> -> vector<32xbf16>
    %bitcast3A_443 = vector.bitcast %pack3A_442 : vector<32xbf16> to vector<16xi32>
    %swap3A_444 = arith.constant 64 : index
    %swap3A_445 = tpu.vector_load %arg8[%swap3A_444] {strides = array<i32>} : memref<80xi32, #tpu.memory_space<vmem>>, vector<16xi32>,
    tpu.vector_store %arg8[%swap3A_444], %bitcast3A_443 {strides = array<i32>} : memref<80xi32, #tpu.memory_space<vmem>>, vector<16xi32>,
    %mul3A_446 = arith.constant 524288 : i32
    %mul3A_447 = arith.muli %add3A, %mul3A_446 : i32
    %add3A_448 = arith.constant 0 : i32
    %add3A_449 = arith.addi %mul3A_447, %add3A_448 : i32
    %dma_start3A = tpu.memref_slice %arg2[%add3A_449] : memref<16777216xf32, #tpu.memory_space<hbm>> -> memref<8192xf32, #tpu.memory_space<hbm>>
    %dma_start3A_450 = tpu.memref_slice %arg2[%add3A_449] : memref<16777216xf32, #tpu.memory_space<hbm>> -> memref<8192xf32, #tpu.memory_space<hbm>>
    tpu.enqueue_dma source(%dma_start3A_450 : memref<8192xf32, #tpu.memory_space<hbm>>) target(%arg9 : memref<8192xf32, #tpu.memory_space<vmem>>) target_semaphore(%arg13 : memref<!tpu.dma_semaphore, #tpu.memory_space<semaphore_mem>>)
    %scan3A = arith.constant 0 : i32
    %scan3A_451 = arith.constant 0 : i32
    %scan3A_452 = arith.constant 32 : i32
    %scan3A_453 = arith.addi %scan3A_451, %scan3A_452 : i32
    %scan3A_454 = arith.constant 1 : i32
    scf.for %scan3A_463 = %scan3A_451 to %scan3A_453 step %scan3A_454  : i32 {
      %mul3A_464 = arith.constant 2 : i32
      %mul3A_465 = arith.muli %mul3A_464, %scan3A_463 : i32
      %add3A_466 = arith.constant 0 : i32
      %add3A_467 = arith.addi %mul3A_465, %add3A_466 : i32
      %add3A_468 = arith.constant 1 : i32
      %add3A_469 = arith.addi %add3A_467, %add3A_468 : i32
      %lt3A_470 = arith.constant 64 : i32
      %lt3A_471 = arith.cmpi slt, %add3A_469, %lt3A_470 : i32
      %convert_element_type3A_472 = arith.extui %lt3A_471 : i1 to i32
      %cond3A = arith.constant 0 : i32
      %cond3A_473 = arith.cmpi ne, %convert_element_type3A_472, %cond3A : i32
      scf.if %cond3A_473 {
        %add3A_520 = arith.constant 1 : i32
        %add3A_521 = arith.addi %add3A_467, %add3A_520 : i32
        %mul3A_522 = arith.constant 8192 : i32
        %mul3A_523 = arith.muli %add3A_521, %mul3A_522 : i32
        %add3A_524 = arith.addi %mul3A_447, %mul3A_523 : i32
        %dma_start3A_525 = tpu.memref_slice %arg2[%add3A_524] : memref<16777216xf32, #tpu.memory_space<hbm>> -> memref<8192xf32, #tpu.memory_space<hbm>>
        %dma_start3A_526 = tpu.memref_slice %arg2[%add3A_524] : memref<16777216xf32, #tpu.memory_space<hbm>> -> memref<8192xf32, #tpu.memory_space<hbm>>
        tpu.enqueue_dma source(%dma_start3A_526 : memref<8192xf32, #tpu.memory_space<hbm>>) target(%arg10 : memref<8192xf32, #tpu.memory_space<vmem>>) target_semaphore(%arg14 : memref<!tpu.dma_semaphore, #tpu.memory_space<semaphore_mem>>)
      } else {
      }
      %mul3A_474 = arith.constant 8192 : i32
      %mul3A_475 = arith.muli %add3A_467, %mul3A_474 : i32
      %add3A_476 = arith.addi %mul3A_447, %mul3A_475 : i32
      %dma_wait3A_477 = tpu.memref_slice %arg2[%add3A_476] : memref<16777216xf32, #tpu.memory_space<hbm>> -> memref<8192xf32, #tpu.memory_space<hbm>>
      %dma_wait3A_478 = tpu.memref_slice %arg2[%add3A_476] : memref<16777216xf32, #tpu.memory_space<hbm>> -> memref<8192xf32, #tpu.memory_space<hbm>>
      tpu.wait_dma2 semaphore(%arg13 : memref<!tpu.dma_semaphore, #tpu.memory_space<semaphore_mem>>) src(%dma_wait3A_478 : memref<8192xf32, #tpu.memory_space<hbm>>) dst(%arg9 : memref<8192xf32, #tpu.memory_space<vmem>>)
      %ge3A_479 = arith.constant 2 : i32
      %ge3A_480 = arith.cmpi sge, %add3A_467, %ge3A_479 : i32
      %convert_element_type3A_481 = arith.extui %ge3A_480 : i1 to i32
      %cond3A_482 = arith.constant 0 : i32
      %cond3A_483 = arith.cmpi ne, %convert_element_type3A_481, %cond3A_482 : i32
      scf.if %cond3A_483 {
        %sub3A_520 = arith.constant 2 : i32
        %sub3A_521 = arith.subi %add3A_467, %sub3A_520 : i32
        %mul3A_522 = arith.constant 8192 : i32
        %mul3A_523 = arith.muli %sub3A_521, %mul3A_522 : i32
        %add3A_524 = arith.addi %mul3A_447, %mul3A_523 : i32
        %dma_wait3A_525 = tpu.memref_slice %arg4[%add3A_524] : memref<16777216xf32, #tpu.memory_space<hbm>> -> memref<8192xf32, #tpu.memory_space<hbm>>
        %dma_wait3A_526 = tpu.memref_slice %arg4[%add3A_524] : memref<16777216xf32, #tpu.memory_space<hbm>> -> memref<8192xf32, #tpu.memory_space<hbm>>
        tpu.wait_dma2 semaphore(%arg15 : memref<!tpu.dma_semaphore, #tpu.memory_space<semaphore_mem>>) src(%arg11 : memref<8192xf32, #tpu.memory_space<vmem>>) dst(%dma_wait3A_526 : memref<8192xf32, #tpu.memory_space<hbm>>)
      } else {
      }
      %parallel_loop3A = arith.constant 0 : i32
      %parallel_loop3A_484 = arith.constant 512 : i32
      %parallel_loop3A_485 = arith.constant 1 : i32
      scf.for %parallel_loop3A_520 = %parallel_loop3A to %parallel_loop3A_484 step %parallel_loop3A_485  : i32 {
        %parallel_loop3A_521 = arith.constant 16 : i32
        %parallel_loop3A_522 = arith.muli %parallel_loop3A_520, %parallel_loop3A_521 : i32
        %parallel_loop3A_523 = arith.index_cast %parallel_loop3A_522 : i32 to index
        %parallel_loop3A_524 = tpu.vector_load %arg9[%parallel_loop3A_523] {strides = array<i32>} : memref<8192xf32, #tpu.memory_space<vmem>>, vector<16xf32>,
        %parallel_loop3A_525 = arith.constant 6.300000e+01 : f32
        %parallel_loop3A_526 = vector.broadcast %parallel_loop3A_525 : f32 to vector<16xf32>
        %parallel_loop3A_527 = arith.mulf %parallel_loop3A_524, %parallel_loop3A_526 : vector<16xf32>
        %parallel_loop3A_528 = arith.constant 8.000000e+00 : f32
        %parallel_loop3A_529 = vector.broadcast %parallel_loop3A_528 : f32 to vector<16xf32>
        %parallel_loop3A_530 = arith.addf %parallel_loop3A_527, %parallel_loop3A_529 : vector<16xf32>
        %parallel_loop3A_531 = arith.fptosi %parallel_loop3A_530 : vector<16xf32> to vector<16xi32>
        %parallel_loop3A_532 = arith.sitofp %parallel_loop3A_531 : vector<16xi32> to vector<16xf32>
        %parallel_loop3A_533 = arith.subf %parallel_loop3A_530, %parallel_loop3A_532 : vector<16xf32>
        %parallel_loop3A_534 = tpu.vector_load_idx %arg6[%parallel_loop3A_531] : memref<80xf32, #tpu.memory_space<vmem>>[vector<16xi32>], vector<16xf32>,
        %parallel_loop3A_535 = tpu.vector_load_idx %arg7[%parallel_loop3A_531] : memref<80xf32, #tpu.memory_space<vmem>>[vector<16xi32>], vector<16xf32>,
        %parallel_loop3A_536 = tpu.vector_load_idx %arg8[%parallel_loop3A_531] : memref<80xi32, #tpu.memory_space<vmem>>[vector<16xi32>], vector<16xi32>,
        %parallel_loop3A_537 = vector.bitcast %parallel_loop3A_536 : vector<16xi32> to vector<32xbf16>
        %parallel_loop3A_538 = tpu.unpack_subelements %parallel_loop3A_537, 0 {pack_format = #tpu.pack_format<interleaved>} : vector<32xbf16> -> vector<16xf32>
        %parallel_loop3A_539 = tpu.unpack_subelements %parallel_loop3A_537, 1 {pack_format = #tpu.pack_format<interleaved>} : vector<32xbf16> -> vector<16xf32>
        %parallel_loop3A_540 = arith.mulf %parallel_loop3A_533, %parallel_loop3A_539 : vector<16xf32>
        %parallel_loop3A_541 = arith.addf %parallel_loop3A_538, %parallel_loop3A_540 : vector<16xf32>
        %parallel_loop3A_542 = arith.mulf %parallel_loop3A_533, %parallel_loop3A_541 : vector<16xf32>
        %parallel_loop3A_543 = arith.addf %parallel_loop3A_535, %parallel_loop3A_542 : vector<16xf32>
        %parallel_loop3A_544 = arith.mulf %parallel_loop3A_533, %parallel_loop3A_543 : vector<16xf32>
        %parallel_loop3A_545 = arith.addf %parallel_loop3A_534, %parallel_loop3A_544 : vector<16xf32>
        %parallel_loop3A_546 = arith.constant 16 : i32
        %parallel_loop3A_547 = arith.muli %parallel_loop3A_520, %parallel_loop3A_546 : i32
        %parallel_loop3A_548 = arith.index_cast %parallel_loop3A_547 : i32 to index
        %parallel_loop3A_549 = tpu.vector_load %arg11[%parallel_loop3A_548] {strides = array<i32>} : memref<8192xf32, #tpu.memory_space<vmem>>, vector<16xf32>,
        tpu.vector_store %arg11[%parallel_loop3A_548], %parallel_loop3A_545 {strides = array<i32>} : memref<8192xf32, #tpu.memory_space<vmem>>, vector<16xf32>,
      } {sc.loop_unroll_factor = 4 : i64, sc.parallel_access}
      %mul3A_486 = arith.constant 8192 : i32
      %mul3A_487 = arith.muli %add3A_467, %mul3A_486 : i32
      %add3A_488 = arith.addi %mul3A_447, %mul3A_487 : i32
      %dma_start3A_489 = tpu.memref_slice %arg4[%add3A_488] : memref<16777216xf32, #tpu.memory_space<hbm>> -> memref<8192xf32, #tpu.memory_space<hbm>>
      %dma_start3A_490 = tpu.memref_slice %arg4[%add3A_488] : memref<16777216xf32, #tpu.memory_space<hbm>> -> memref<8192xf32, #tpu.memory_space<hbm>>
      tpu.enqueue_dma source(%arg11 : memref<8192xf32, #tpu.memory_space<vmem>>) target(%dma_start3A_490 : memref<8192xf32, #tpu.memory_space<hbm>>) target_semaphore(%arg15 : memref<!tpu.dma_semaphore, #tpu.memory_space<semaphore_mem>>)
      %mul3A_491 = arith.constant 2 : i32
      %mul3A_492 = arith.muli %mul3A_491, %scan3A_463 : i32
      %add3A_493 = arith.constant 1 : i32
      %add3A_494 = arith.addi %mul3A_492, %add3A_493 : i32
      %add3A_495 = arith.constant 1 : i32
      %add3A_496 = arith.addi %add3A_494, %add3A_495 : i32
      %lt3A_497 = arith.constant 64 : i32
      %lt3A_498 = arith.cmpi slt, %add3A_496, %lt3A_497 : i32
      %convert_element_type3A_499 = arith.extui %lt3A_498 : i1 to i32
      %cond3A_500 = arith.constant 0 : i32
      %cond3A_501 = arith.cmpi ne, %convert_element_type3A_499, %cond3A_500 : i32
      scf.if %cond3A_501 {
        %add3A_520 = arith.constant 1 : i32
        %add3A_521 = arith.addi %add3A_494, %add3A_520 : i32
        %mul3A_522 = arith.constant 8192 : i32
        %mul3A_523 = arith.muli %add3A_521, %mul3A_522 : i32
        %add3A_524 = arith.addi %mul3A_447, %mul3A_523 : i32
        %dma_start3A_525 = tpu.memref_slice %arg2[%add3A_524] : memref<16777216xf32, #tpu.memory_space<hbm>> -> memref<8192xf32, #tpu.memory_space<hbm>>
        %dma_start3A_526 = tpu.memref_slice %arg2[%add3A_524] : memref<16777216xf32, #tpu.memory_space<hbm>> -> memref<8192xf32, #tpu.memory_space<hbm>>
        tpu.enqueue_dma source(%dma_start3A_526 : memref<8192xf32, #tpu.memory_space<hbm>>) target(%arg9 : memref<8192xf32, #tpu.memory_space<vmem>>) target_semaphore(%arg13 : memref<!tpu.dma_semaphore, #tpu.memory_space<semaphore_mem>>)
      } else {
      }
      %mul3A_502 = arith.constant 8192 : i32
      %mul3A_503 = arith.muli %add3A_494, %mul3A_502 : i32
      %add3A_504 = arith.addi %mul3A_447, %mul3A_503 : i32
      %dma_wait3A_505 = tpu.memref_slice %arg2[%add3A_504] : memref<16777216xf32, #tpu.memory_space<hbm>> -> memref<8192xf32, #tpu.memory_space<hbm>>
      %dma_wait3A_506 = tpu.memref_slice %arg2[%add3A_504] : memref<16777216xf32, #tpu.memory_space<hbm>> -> memref<8192xf32, #tpu.memory_space<hbm>>
      tpu.wait_dma2 semaphore(%arg14 : memref<!tpu.dma_semaphore, #tpu.memory_space<semaphore_mem>>) src(%dma_wait3A_506 : memref<8192xf32, #tpu.memory_space<hbm>>) dst(%arg10 : memref<8192xf32, #tpu.memory_space<vmem>>)
      %ge3A_507 = arith.constant 2 : i32
      %ge3A_508 = arith.cmpi sge, %add3A_494, %ge3A_507 : i32
      %convert_element_type3A_509 = arith.extui %ge3A_508 : i1 to i32
      %cond3A_510 = arith.constant 0 : i32
      %cond3A_511 = arith.cmpi ne, %convert_element_type3A_509, %cond3A_510 : i32
      scf.if %cond3A_511 {
        %sub3A_520 = arith.constant 2 : i32
        %sub3A_521 = arith.subi %add3A_494, %sub3A_520 : i32
        %mul3A_522 = arith.constant 8192 : i32
        %mul3A_523 = arith.muli %sub3A_521, %mul3A_522 : i32
        %add3A_524 = arith.addi %mul3A_447, %mul3A_523 : i32
        %dma_wait3A_525 = tpu.memref_slice %arg4[%add3A_524] : memref<16777216xf32, #tpu.memory_space<hbm>> -> memref<8192xf32, #tpu.memory_space<hbm>>
        %dma_wait3A_526 = tpu.memref_slice %arg4[%add3A_524] : memref<16777216xf32, #tpu.memory_space<hbm>> -> memref<8192xf32, #tpu.memory_space<hbm>>
        tpu.wait_dma2 semaphore(%arg16 : memref<!tpu.dma_semaphore, #tpu.memory_space<semaphore_mem>>) src(%arg12 : memref<8192xf32, #tpu.memory_space<vmem>>) dst(%dma_wait3A_526 : memref<8192xf32, #tpu.memory_space<hbm>>)
      } else {
      }
      %parallel_loop3A_512 = arith.constant 0 : i32
      %parallel_loop3A_513 = arith.constant 512 : i32
      %parallel_loop3A_514 = arith.constant 1 : i32
      scf.for %parallel_loop3A_520 = %parallel_loop3A_512 to %parallel_loop3A_513 step %parallel_loop3A_514  : i32 {
        %parallel_loop3A_521 = arith.constant 16 : i32
        %parallel_loop3A_522 = arith.muli %parallel_loop3A_520, %parallel_loop3A_521 : i32
        %parallel_loop3A_523 = arith.index_cast %parallel_loop3A_522 : i32 to index
        %parallel_loop3A_524 = tpu.vector_load %arg10[%parallel_loop3A_523] {strides = array<i32>} : memref<8192xf32, #tpu.memory_space<vmem>>, vector<16xf32>,
        %parallel_loop3A_525 = arith.constant 6.300000e+01 : f32
        %parallel_loop3A_526 = vector.broadcast %parallel_loop3A_525 : f32 to vector<16xf32>
        %parallel_loop3A_527 = arith.mulf %parallel_loop3A_524, %parallel_loop3A_526 : vector<16xf32>
        %parallel_loop3A_528 = arith.constant 8.000000e+00 : f32
        %parallel_loop3A_529 = vector.broadcast %parallel_loop3A_528 : f32 to vector<16xf32>
        %parallel_loop3A_530 = arith.addf %parallel_loop3A_527, %parallel_loop3A_529 : vector<16xf32>
        %parallel_loop3A_531 = arith.fptosi %parallel_loop3A_530 : vector<16xf32> to vector<16xi32>
        %parallel_loop3A_532 = arith.sitofp %parallel_loop3A_531 : vector<16xi32> to vector<16xf32>
        %parallel_loop3A_533 = arith.subf %parallel_loop3A_530, %parallel_loop3A_532 : vector<16xf32>
        %parallel_loop3A_534 = tpu.vector_load_idx %arg6[%parallel_loop3A_531] : memref<80xf32, #tpu.memory_space<vmem>>[vector<16xi32>], vector<16xf32>,
        %parallel_loop3A_535 = tpu.vector_load_idx %arg7[%parallel_loop3A_531] : memref<80xf32, #tpu.memory_space<vmem>>[vector<16xi32>], vector<16xf32>,
        %parallel_loop3A_536 = tpu.vector_load_idx %arg8[%parallel_loop3A_531] : memref<80xi32, #tpu.memory_space<vmem>>[vector<16xi32>], vector<16xi32>,
        %parallel_loop3A_537 = vector.bitcast %parallel_loop3A_536 : vector<16xi32> to vector<32xbf16>
        %parallel_loop3A_538 = tpu.unpack_subelements %parallel_loop3A_537, 0 {pack_format = #tpu.pack_format<interleaved>} : vector<32xbf16> -> vector<16xf32>
        %parallel_loop3A_539 = tpu.unpack_subelements %parallel_loop3A_537, 1 {pack_format = #tpu.pack_format<interleaved>} : vector<32xbf16> -> vector<16xf32>
        %parallel_loop3A_540 = arith.mulf %parallel_loop3A_533, %parallel_loop3A_539 : vector<16xf32>
        %parallel_loop3A_541 = arith.addf %parallel_loop3A_538, %parallel_loop3A_540 : vector<16xf32>
        %parallel_loop3A_542 = arith.mulf %parallel_loop3A_533, %parallel_loop3A_541 : vector<16xf32>
        %parallel_loop3A_543 = arith.addf %parallel_loop3A_535, %parallel_loop3A_542 : vector<16xf32>
        %parallel_loop3A_544 = arith.mulf %parallel_loop3A_533, %parallel_loop3A_543 : vector<16xf32>
        %parallel_loop3A_545 = arith.addf %parallel_loop3A_534, %parallel_loop3A_544 : vector<16xf32>
        %parallel_loop3A_546 = arith.constant 16 : i32
        %parallel_loop3A_547 = arith.muli %parallel_loop3A_520, %parallel_loop3A_546 : i32
        %parallel_loop3A_548 = arith.index_cast %parallel_loop3A_547 : i32 to index
        %parallel_loop3A_549 = tpu.vector_load %arg12[%parallel_loop3A_548] {strides = array<i32>} : memref<8192xf32, #tpu.memory_space<vmem>>, vector<16xf32>,
        tpu.vector_store %arg12[%parallel_loop3A_548], %parallel_loop3A_545 {strides = array<i32>} : memref<8192xf32, #tpu.memory_space<vmem>>, vector<16xf32>,
      } {sc.loop_unroll_factor = 4 : i64, sc.parallel_access}
      %mul3A_515 = arith.constant 8192 : i32
      %mul3A_516 = arith.muli %add3A_494, %mul3A_515 : i32
      %add3A_517 = arith.addi %mul3A_447, %mul3A_516 : i32
      %dma_start3A_518 = tpu.memref_slice %arg4[%add3A_517] : memref<16777216xf32, #tpu.memory_space<hbm>> -> memref<8192xf32, #tpu.memory_space<hbm>>
      %dma_start3A_519 = tpu.memref_slice %arg4[%add3A_517] : memref<16777216xf32, #tpu.memory_space<hbm>> -> memref<8192xf32, #tpu.memory_space<hbm>>
      tpu.enqueue_dma source(%arg12 : memref<8192xf32, #tpu.memory_space<vmem>>) target(%dma_start3A_519 : memref<8192xf32, #tpu.memory_space<hbm>>) target_semaphore(%arg16 : memref<!tpu.dma_semaphore, #tpu.memory_space<semaphore_mem>>)
    }
    %scan3A_455 = arith.constant 32 : i32
    %add3A_456 = arith.constant 507904 : i32
    %add3A_457 = arith.addi %mul3A_447, %add3A_456 : i32
    %dma_wait3A = tpu.memref_slice %arg4[%add3A_457] : memref<16777216xf32, #tpu.memory_space<hbm>> -> memref<8192xf32, #tpu.memory_space<hbm>>
    %dma_wait3A_458 = tpu.memref_slice %arg4[%add3A_457] : memref<16777216xf32, #tpu.memory_space<hbm>> -> memref<8192xf32, #tpu.memory_space<hbm>>
    tpu.wait_dma2 semaphore(%arg15 : memref<!tpu.dma_semaphore, #tpu.memory_space<semaphore_mem>>) src(%arg11 : memref<8192xf32, #tpu.memory_space<vmem>>) dst(%dma_wait3A_458 : memref<8192xf32, #tpu.memory_space<hbm>>)
    %add3A_459 = arith.constant 516096 : i32
    %add3A_460 = arith.addi %mul3A_447, %add3A_459 : i32
    %dma_wait3A_461 = tpu.memref_slice %arg4[%add3A_460] : memref<16777216xf32, #tpu.memory_space<hbm>> -> memref<8192xf32, #tpu.memory_space<hbm>>
    %dma_wait3A_462 = tpu.memref_slice %arg4[%add3A_460] : memref<16777216xf32, #tpu.memory_space<hbm>> -> memref<8192xf32, #tpu.memory_space<hbm>>
    tpu.wait_dma2 semaphore(%arg16 : memref<!tpu.dma_semaphore, #tpu.memory_space<semaphore_mem>>) src(%arg12 : memref<8192xf32, #tpu.memory_space<vmem>>) dst(%dma_wait3A_462 : memref<8192xf32, #tpu.memory_space<hbm>>)
    return
  }
}

</mosaic_0001>

<sc_bundles>
// kernel: kernel.3.cloned.1.call-start
scs
__scs_entry_jumppad:
0x0: {  	(pc) =	sbr.rel $0x88, $3  }
0x1: {  	(tag) =	ssettag $0x0;
	lr =	simm.s32 $0x1  }
0x2: {  	[smem:$0x3F9F] =	sst lr;
	_ =	strace $0xD0000000  }
0x3: {  	_ = 	snop  }
0x4: {  	_ = 	snop  }
0x5: {  	_ = 	snop  }
0x6: {  	_ = 	snop  }
0x7: {  	_ = 	snop  }
__scs_overlays_trampoline_lowered:
0x8: {  	[smem:$0x3FAE] =	sst s0  }
0x9: {  	[smem:$0x3FAF] =	sst s1  }
0xa: {  	[smem:$0x3FB0] =	sst s2  }
0xb: {  	[smem:$0x3FB1] =	sst s3  }
0xc: {  	[smem:$0x3FB2] =	sst s4  }
0xd: {  	[smem:$0x3FB3] =	sst s5  }
0xe: {  	[smem:$0x3FB4] =	sst s6  }
0xf: {  	[smem:$0x3FB5] =	sst s7  }
0x10: {  	[smem:$0x3FB6] =	sst s8  }
0x11: {  	[smem:$0x3FB7] =	sst s9;
	s0 =	simm.s32 @!p0 $0x0  }
0x12: {  	s1 =	sld [smem:$0x3F9D];
	s0 =	simm.s32 @p0 $0x1  }
0x13: {  	[smem:$0x3FB8] =	sst s0;
	s0 =	simm.s32 @!p1 $0x0  }
0x14: {  	s2 =	sld [smem:$0x3F9C];
	s0 =	simm.s32 @p1 $0x1  }
0x15: {  	[smem:$0x3FB9] =	sst s0;
	s0 =	simm.s32 @!p2 $0x0  }
0x16: {  	s3 =	sld [smem:$0x3FDB];
	s0 =	simm.s32 @p2 $0x1  }
0x17: {  	s4 =	simm.s32 $0x1BF5;
	[smem:$0x3FBB] =	sst s0  }
0x18: {  	s0 =	sld [smem:$0x3F9E];
	_ =	swait.ge [sflag:s4], $0x0  }
0x19: {  	s7 =	sld [smem:$0x3F9F]  }
0x1a: {  	s8 =	sadd.s32 $0xFFFFE003, lr  }
0x1b: {  	s9 =	sadd.s32 $0xFFFFFEF7, lr;
	s5 =	simm.s32 $0xFFFFFFFF;
	p2 =	slt.u32 s8, $0xFFFFF086  }
0x1c: {  	p1 =	slt.u32 s9, $0xF7A;
	s5 =	simm.s32 @!p2 $0x0  }
0x1d: {  	s5 =	simm.s32 @p1 $0x1;
	p0 =	seq.s32 s7, s2  }
0x1e: {  	s7 =	smul.u32 @!p0 $0xF7A, s2;
	p2 =	seq.s32 @!p0 s5, $0x0  }
0x1f: {  	s9 =	smul.u32 $0xF7A, s1;
	s8 =	simm.s32 @!p0 $0x1BF5;
	p2 =	por !p2, p0  }
0x20: {  	[sflag:s8] =	ssyncset.s32 @!p0 $0xFFFFF086;
	s6 =	sadd.s32 @!p0 s3, s7;
	s7 =	simm.s32 @!p0 $0x108  }
0x21: {  	s3 =	sadd.s32 s3, s9;
	s6 =	sadd.s32 @!p0 $0x88, s6;
	s7 =	simm.s32 @p2 $0x1082  }
0x22: {  	[simem:s7], [sflag:s8] =	dma.local @!p0 [hbm:s6], $0xF7A  }
0x23: {  	s9 =	sor.u32 $0xD0000000, s2;
	s6 =	simm.s32 $0x108;
	_ =	swait.ge @!p0 [sflag:s8], $0x0  }
0x24: {  	s3 =	sadd.s32 $0x88, s3;
	s6 =	simm.s32 @!p1 $0x1082;
	[sflag:s4] =	ssyncset.s32 $0xFFFFF086  }
0x25: {  	[simem:s6], [sflag:s4] =	dma.local [hbm:s3], $0xF7A  }
0x26: {  	[smem:$0x3F9F] =	sst s1;
	(tag) =	ssettag s2;
	_ =	strace s9  }
0x27: {  	s1 =	sld [smem:$0x3FAF]  }
0x28: {  	s2 =	sld [smem:$0x3FB0]  }
0x29: {  	s4 =	sld [smem:$0x3FB2]  }
0x2a: {  	p0 =	seq.s32 s5, $0x0;
	s5 =	sld [smem:$0x3FB3]  }
0x2b: {  	s6 =	sld [smem:$0x3FB4]  }
0x2c: {  	s7 =	sld [smem:$0x3FB5]  }
0x2d: {  	s3 =	simm.s32 $0x108;
	s8 =	sld [smem:$0x3FB6]  }
0x2e: {  	s3 =	simm.s32 @!p0 $0x1082;
	s9 =	sld [smem:$0x3FB7]  }
0x2f: {  	lr =	sadd.s32 s0, s3;
	s0 =	sld [smem:$0x3FAE]  }
0x30: {  	s3 =	sld [smem:$0x3FB1]  }
0x31: {  	[smem:$0x3FBA] =	sst s10  }
0x32: {  	s10 =	sld [smem:$0x3FB8];
	_ =	sdelay $0x3  }
0x33: {  	p0 =	seq.s32 s10, $0x1;
	s10 =	sld [smem:$0x3FBA];
	_ =	sdelay $0x3  }
0x34: {  	[smem:$0x3FBA] =	sst s10  }
0x35: {  	s10 =	sld [smem:$0x3FB9];
	_ =	sdelay $0x3  }
0x36: {  	p1 =	seq.s32 s10, $0x1;
	s10 =	sld [smem:$0x3FBA];
	_ =	sdelay $0x3  }
0x37: {  	[smem:$0x3FBA] =	sst s10  }
0x38: {  	s10 =	sld [smem:$0x3FBB]  }
0x39: {  	_ = 	snop;
	(pc) =	sbr.ind lr, $3  }
0x3a: {  	_ = 	snop  }
0x3b: {  	_ = 	snop  }
0x3c: {  	p2 =	seq.s32 s10, $0x1;
	s10 =	sld [smem:$0x3FBA]  }
0x3d: {  	_ =	shalt  }
0x3e: {  	_ =	shalt  }
0x3f: {  	_ =	shalt  }
0x40: {  	_ =	shalt  }
0x41: {  	_ =	shalt  }
0x42: {  	_ =	shalt  }
0x43: {  	_ =	shalt  }
0x44: {  	_ =	shalt  }
0x45: {  	_ =	shalt  }
0x46: {  	_ =	shalt  }
0x47: {  	_ =	shalt  }
0x48: {  	_ =	shalt  }
0x49: {  	_ =	shalt  }
0x4a: {  	_ =	shalt  }
0x4b: {  	_ =	shalt  }
0x4c: {  	_ =	shalt  }
0x4d: {  	_ =	shalt  }
0x4e: {  	_ =	shalt  }
0x4f: {  	_ =	shalt  }
0x50: {  	_ =	shalt  }
0x51: {  	_ =	shalt  }
0x52: {  	_ =	shalt  }
0x53: {  	_ =	shalt  }
0x54: {  	_ =	shalt  }
0x55: {  	_ =	shalt  }
0x56: {  	_ =	shalt  }
0x57: {  	_ =	shalt  }
0x58: {  	_ =	shalt  }
0x59: {  	_ =	shalt  }
0x5a: {  	_ =	shalt  }
0x5b: {  	_ =	shalt  }
0x5c: {  	_ =	shalt  }
0x5d: {  	_ =	shalt  }
0x5e: {  	_ =	shalt  }
0x5f: {  	_ =	shalt  }
0x60: {  	_ =	shalt  }
0x61: {  	_ =	shalt  }
0x62: {  	_ =	shalt  }
0x63: {  	_ =	shalt  }
0x64: {  	_ =	shalt  }
0x65: {  	_ =	shalt  }
0x66: {  	_ =	shalt  }
0x67: {  	_ =	shalt  }
0x68: {  	_ =	shalt  }
0x69: {  	_ =	shalt  }
0x6a: {  	_ =	shalt  }
0x6b: {  	_ =	shalt  }
0x6c: {  	_ =	shalt  }
0x6d: {  	_ =	shalt  }
0x6e: {  	_ =	shalt  }
0x6f: {  	_ =	shalt  }
0x70: {  	_ =	shalt  }
0x71: {  	_ =	shalt  }
0x72: {  	_ =	shalt  }
0x73: {  	_ =	shalt  }
0x74: {  	_ =	shalt  }
0x75: {  	_ =	shalt  }
0x76: {  	_ =	shalt  }
0x77: {  	_ =	shalt  }
0x78: {  	_ =	shalt  }
0x79: {  	_ =	shalt  }
0x7a: {  	_ =	shalt  }
0x7b: {  	_ =	shalt  }
0x7c: {  	_ =	shalt  }
0x7d: {  	_ =	shalt  }
0x7e: {  	_ =	shalt  }
0x7f: {  	_ =	shalt  }
0x80: {  	_ =	shalt  }
0x81: {  	_ =	shalt  }
0x82: {  	_ =	shalt  }
0x83: {  	_ =	shalt  }
0x84: {  	_ =	shalt  }
0x85: {  	_ =	shalt  }
0x86: {  	_ =	shalt  }
0x87: {  	_ =	shalt  }
.Lfunc_end0:
.L_simem_size_0:
called_computation_lowered:
.L_overlay_start_0:
0x88: {  	s2 =	sld [smem:$0x3FD9]  }
0x89: {  	s3 =	sld [smem:$0x3FFE];
	_ =	sdelay $0x1  }
0x8a: {  	s1 =	srdreg.scid  }
0x8b: {  	s0 =	sand.u32 $0x1, s1  }
0x8c: {  	s18 =	sshll.u32 s0, $0xA;
	s2 =	sadd.s32 s3, s2  }
0x8d: {  	s2 =	sadd.s32 s2, s18  }
0x8e: {  	[smem:$0x3FC6] =	sst s2  }
0x8f: {  	_ = 	snop  }
0x90: {  	s2 =	sld [smem:$0x3FC9]  }
0x91: {  	s19 =	sld [smem:$0x3FC8]  }
0x92: {  	s4 =	sld [smem:$0x3FD0];
	(tm) =	ssettm $0x1  }
0x93: {  	s5 =	sld [smem:$0x3FFB];
	_ =	sdelay $0x3  }
0x94: {  	_ =	strace s5  }
0x95: {  	s5 =	sld [smem:$0x3FFC];
	_ =	sdelay $0x3  }
0x96: {  	_ =	strace s5  }
0x97: {  	s5 =	sld [smem:$0x3FFD];
	_ =	sdelay $0x3  }
0x98: {  	_ =	strace s5  }
0x99: {  	_ =	strace $0x8FFFFFFF  }
0x9a: {  	s20 =	sld [smem:$0x3FDB];
	_ =	sdelay $0x1  }
0x9b: {  	s6 =	simm.s32 $_scs_section_size  }
0x9c: {  	s7 =	simm.s32 $_size__tile_overlayer_lowered;
	s8 =	simm.s32 $_tile_overlayer_lowered  }
0x9d: {  	s23 =	simm.s32 $0x1BFF;
	s22 =	sshll.u32 s8, $0x1;
	s5 =	sadd.s32 s6, s20  }
0x9e: {  	s9 =	simm.s32 $0x0;
	s21 =	sshll.u32 s7, $0x1;
	s7 =	sadd.s32 s22, s5  }
0x9f: {  	[timem:s9], [sflag:s23] =	dma.local [hbm:s7], s21  }
0xa0: {  	_ =	swait.ge [sflag:s23], s21  }
0xa1: {  	s6 =	ssub.s32 $0x0, s21;
	[sflag:s23] =	ssyncset.done $0x0  }
0xa2: {  	[sflag:s23] =	ssyncadd.s32 s6;
	_ =	sdelay $0x1  }
0xa3: {  	s24 =	simm.s32 $0x1B8B  }
0xa4: {  	_ =	swait.ge [sflag:s24], $0x1  }
0xa5: {  	[sflag:s24] =	ssyncset.done $0x0  }
0xa6: {  	s25 =	simm.s32 $0x1B8E;
	[sflag:s24] =	ssyncadd.s32 $0xFFFFFFFF  }
0xa7: {  	s26 =	simm.s32 $execute0_lowered;
	[smem:$0x3FD2] =	sst s25  }
0xa8: {  	s6 =	sshll.u32 s26, $0x1;
	_ =	strace $0x80000046;
	[dreg:$0x1] =	wrdreg $0xFFFFFFFF  }
0xa9: {  	s28 =	simm.s32 $_size_execute0_lowered;
	s5 =	sadd.s32 s5, s6;
	[dreg:$0x0] =	wrdreg $0x0  }
0xaa: {  	s6 =	sshll.u32 s28, $0x1;
	[dreg:$0x2] =	wrdreg s5  }
0xab: {  	[dreg:$0x3] =	wrdreg s6  }
0xac: {  	[dreg:$0x4] =	wrdreg $0xC0  }
0xad: {  	_ =	task [dreg:s9], $0x5FFFF  }
0xae: {  	[dreg:$0x1] =	wrdreg $0xFFFFFFFF  }
0xaf: {  	[dreg:$0x0] =	wrdreg $0x60  }
0xb0: {  	[dreg:$0x2] =	wrdreg s2  }
0xb1: {  	[dreg:$0x3] =	wrdreg s19  }
0xb2: {  	[dreg:$0x4] =	wrdreg s4  }
0xb3: {  	[dreg:$0x5] =	wrdreg $0x9  }
0xb4: {  	_ =	task.clear_ibuf [dreg:s9], $0x6FFFF;
	_ =	strace $0x90000046  }
0xb5: {  	s29 =	simm.s32 $0x9;
	_ =	strace $0x80000048  }
0xb6: {  	_ =	swait.ge [sflag:s29], $0x1  }
0xb7: {  	[sflag:s29] =	ssyncadd.s32 $0xFFFFFFFF  }
0xb8: {  	_ =	strace $0x90000048  }
0xb9: {  	_ =	sfence  }
0xba: {  	s30 =	sld [smem:$0x0];
	_ =	sdelay $0x2  }
0xbb: {  	s31 =	sshll.u32 s1, $0xD;
	s1 =	sshrl.u32 s1, $0x2  }
0xbc: {  	s3 =	sand.u32 $0x4000, s31;
	s1 =	sadd.s32 s1, s30  }
0xbd: {  	s0 =	sor.u32 s3, s0;
	s1 =	sshll.u32 s1, $0x11  }
0xbe: {  	s0 =	sor.u32 s1, s0  }
0xbf: {  	s0 =	sadd.s32 $0x8F2B, s0  }
0xc0: {  	[sflag:s0] =	ssyncadd.remote.s32 $0x1  }
0xc1: {  	_ =	sfence.sel $0xFFFF  }
0xc2: {  	[dreg:$0x0] =	wrdreg $0xFFFFFFFF;
	(pc) =	sbr.abs _section_cstart, $3  }
0xc3: {  	[dreg:$0x1] =	wrdreg $0xFFFFFFFF  }
0xc4: {  	_ =	task.clear_ibuf [dreg:s9], $0x2FFFF;
	_ =	strace $0x9FFFFFFF  }
0xc5: {  	(tm) =	ssettm $0x7FFFFFFF  }
tec
execute0_lowered:
.L_overlay_start_1:
0x0: {  	(tag) =	ssettag $0x1  }
0x1: {  	v0 =	vimm.s32 $0xE40000;
	v1 =	vimm.s32 $0x87654320;
	v2 =	vimm.s32 $0x3900000  }
0x2: {  	v3 =	vimm.s32 $0x7060504;
	vm0 =	vcmask $0x3F30;
	vm2 =	vcmask $0x3F24  }
0x3: {  	v4 =	vimm.s32 $0x6050400;
	v5 =	vimm.s32 $0x98765430;
	vm3 =	vcmask $0x3F34  }
0x4: {  	vm1 =	vcmask $0x1310;
	v19 =	vlaneseq.u32;
	v14 =	vimm.s32 $0x3B3A3938  }
0x5: {  	v16 =	vimm.s32 $0x3E3E3D3C;
	v17 =	vimm.s32 $0x3C3B3A39;
	vm4 =	vcmask $0x1F10  }
0x6: {  	v18 =	vimm.s32 $0x3F3F3E3D;
	v20 =	vimm.s32 $0x3D3D3C3B;
	v21 =	vimm.s32 $0x3D3C3B3A  }
0x7: {  	v0 =	vunpack.c.l.s2.s4 v0;
	v1 =	vunpack.c.l.s4.s8 v1;
	v2 =	vunpack.c.l.s2.s4 v2  }
0x8: {  	v3 =	vunpack.c.0.s8.s32 v3;
	v5 =	vunpack.c.l.s4.s8 v5;
	v6 =	vadd.s32 $0x9, v19  }
0x9: {  	v7 =	vadd.s32 $0x7, v19;
	v8 =	vadd.s32 $0xA, v19;
	v0 =	vunpack.c.l.s4.s8 v0  }
0xa: {  	v9 =	vadd.s32 $0x18, v19;
	v10 =	vadd.s32 $0x19, v19;
	v11 =	vadd.s32 $0x17, v19  }
0xb: {  	v12 =	vadd.s32 $0x1A, v19;
	v13 =	vadd.s32 $0x28, v19;
	v0 =	vunpack.c.0.s8.s32 v0  }
0xc: {  	v15 =	vunpack.c.0.s8.s32 v14;
	v14 =	vadd.s32 $0x29, v19;
	v16 =	vunpack.c.0.s8.s32 v16  }
0xd: {  	v17 =	vunpack.c.0.s8.s32 v17;
	v1 =	vunpack.c.0.s8.s32 v1;
	v0 =	vand.u32 $0x3, v0  }
0xe: {  	v2 =	vunpack.c.l.s4.s8 v2;
	v5 =	vunpack.c.0.s8.s32 v5;
	v0 =	vsel vm0, v3, v0  }
0xf: {  	v3 =	vunpack.c.0.s8.s32 v4;
	v4 =	vimm.f32 $-8.000000000e+00;
	vm0 =	vcmask $0x704  }
0x10: {  	v2 =	vunpack.c.0.s8.s32 v2;
	v4 =	vsel vm0, $0xC0E00000, v4;
	vm0 =	vcmask $0xB08  }
0x11: {  	v1 =	vand.u32 $0xF, v1;
	v4 =	vsel vm0, $0xC0C00000, v4;
	vm0 =	vcmask $0xF0C  }
0x12: {  	v1 =	vnsel vm2, $0x1, v1;
	v2 =	vand.u32 $0x3, v2;
	v4 =	vsel vm0, $0xC0A00000, v4  }
0x13: {  	v2 =	vsel vm3, v3, v2;
	vm0 =	vcmask $0x1714;
	v4 =	vsel vm1, $0xC0800000, v4  }
0x14: {  	v3 =	vsel vm0, $0xC0400000, v4;
	vm0 =	vcmask $0x1B18;
	v4 =	vand.u32 $0xF, v5  }
0x15: {  	s0 =	rddreg [dreg:$0x0];
	v5 =	vsel vm0, $0xC0000000, v3;
	v3 =	vnsel vm2, $0x2, v4;
	vm2 =	vcmask $0xF00  }
0x16: {  	s1 =	rddreg [dreg:$0x1];
	v21 =	vunpack.c.0.s8.s32 v21;
	vm3 =	vcmask $0x1F1C;
	v15 =	vnsel vm2, $0x3E, v15  }
0x17: {  	s3 =	rddreg [dreg:$0x2];
	vm0 =	vmmov $0xff;
	v15 =	vsel vm4, v16, v15;
	v16 =	vunpack.c.0.s8.s32 v18  }
0x18: {  	s2 =	srdreg.scid;
	s4 =	stileid.u32;
	s5 =	simm.s32 $0x0;
	v4 =	vsel vm3, $0xBF800000, v5;
	v5 =	vadd.s32 $0x8, v19;
	v17 =	vnsel vm2, $0x3F, v17  }
0x19: {  	s11 =	simm.s32 $0x5;
	s12 =	simm.s32 $0x200;
	s13 =	simm.s32 $0x2200;
	v16 =	vsel vm4, v16, v17;
	v17 =	vunpack.c.0.s8.s32 v20;
	v20 =	vimm.f32 $8.000000000e+00  }
0x1a: {  	s14 =	simm.s32 $0x1;
	s15 =	simm.s32 $0x80;
	s16 =	simm.s32 $0x100;
	v18 =	vimm.s32 $0x3A393837;
	v20 =	vsel vm3, $0x0, v20;
	vm3 =	vcmask $0x2320  }
0x1b: {  	s17 =	simm.s32 $0x180;
	s18 =	simm.s32 $0x4200;
	s19 =	simm.s32 $0x2;
	v18 =	vunpack.c.0.s8.s32 v18;
	v20 =	vsel vm3, $0x3F800000, v20;
	vm3 =	vcmask $0x2724  }
0x1c: {  	s20 =	simm.s32 $0x4;
	s21 =	simm.s32 $0x6200;
	s22 =	simm.s32 $0x3;
	v21 =	vnsel vm2, $0x3F, v21;
	v20 =	vsel vm3, $0x40000000, v20;
	vm3 =	vcmask $0x2B28  }
0x1d: {  	s23 =	simm.s32 $0x0;
	s2 =	sand.u32 $0x1, s2;
	s6 =	sshll.u32 s4, $0x14;
	v18 =	vnsel vm2, $0x3D, v18;
	v20 =	vsel vm3, $0x40400000, v20;
	vm3 =	vcmask $0x2F2C  }
0x1e: {  	[smem:$0x7FF] =	sst s5;
	s7 =	sshll.u32 s2, $0x13;
	s2 =	ssub.s32 $0x2, s2;
	vm2 =	vcmask $0x3B38;
	v20 =	vsel vm3, $0x40800000, v20;
	vm3 =	vcmask $0x3330  }
0x1f: {  	_ =	strace $0x80000047;
	s6 =	sor.u32 s7, s6;
	s31 =	sshrl.u32 s2, $0x1;
	v17 =	vsel vm4, v17, v18;
	v20 =	vsel vm3, $0x40A00000, v20;
	vm3 =	vcmask $0x3734  }
0x20: {  	s8 =	sshrl.u32 s6, $0x3;
	s2 =	ssub.s32 s2, s31;
	s9 =	sor.u32 $0x4000, s6;
	v18 =	vadd.s32 $0x27, v19;
	v19 =	vadd.s32 $0x2A, v19;
	v22 =	vsel vm3, $0x40C00000, v20  }
0x21: {  	s7 =	sadd.s32 s0, s8;
	s8 =	sor.u32 $0x2000, s6;
	s10 =	smax.u32 s2, $0x1;
	v20 =	vsel vm1, $0x3E, v21;
	vm1 =	vmmov $0x7f;
	v21 =	vsel vm2, $0x40E00000, v22  }
.LBB2_1:
0x22: {  	[tilespmem:s5], [sflag:$0x5] =	stream.linear.gather [hbm4b:s1+s5], $0x80, $0x38;
	[tilespmem:$0x8200] =	vst v63  }
0x23: {  	_ =	swait.ge [sflag:s11], $0x80  }
0x24: {  	[sflag:s11] =	ssyncset.done $0x0  }
0x25: {  	[sflag:s11] =	ssyncadd.s32 $0xFFFFFF80  }
0x26: {  	v22 =	vld.idx.msk [tilespmem:v1+s5+$0x0], $0xffff  }
0x27: {  	v23 =	vld.idx.msk [tilespmem:v2+s5+$0x0], $0xffff;
	_ =	sdelay $0x1  }
0x28: {  	v24 =	vld.idx.msk [tilespmem:v0+s5+$0x0], $0xffff  }
0x29: {  	v25 =	vld.idx.msk [tilespmem:v3+s5+$0x0], $0xffff;
	_ =	sdelay $0x1  }
0x2a: {  	v23 =	vsub.f32 v22, v23;
	_ =	sdelay $0x1  }
0x2b: {  	v26 =	vsub.f32 v22, v24;
	v22 =	vsub.f32 v24, v22;
	v23 =	vmul.f32 $5.000000000e-01, v23  }
0x2c: {  	v25 =	vsub.f32 v25, v24  }
0x2d: {  	v27 =	vmul.f32 $3.000000000e+00, v26;
	v22 =	vadd.f32 v22, v22;
	v28 =	vadd.f32 v23, v23  }
0x2e: {  	v29 =	vmul.f32 v4, v26  }
0x2f: {  	v25 =	vmul.f32 $5.000000000e-01, v25;
	v22 =	vadd.f32 v23, v22;
	v27 =	vsub.f32 v27, v28  }
0x30: {  	v47 =	vadd.f32 v29, v24  }
0x31: {  	v22 =	vadd.f32 v25, v22;
	v27 =	vsub.f32 v27, v25  }
0x32: {  	v23 =	vsel vm0, v26, v23  }
0x33: {  	[tilespmem:$0x100] =	vst v23;
	v24 =	vsel vm0, v47, v24;
	v22 =	vsel vm0, $0x0, v22;
	v48 =	vsel vm0, $0x0, v27  }
0x34: {  	[tilespmem:$0x80] =	vst v24;
	v22 =	vpack.i.f32.bf16 v22, v48  }
0x35: {  	[tilespmem:$0x180] =	vst v22  }
0x36: {  	v22 =	vld.idx.msk [tilespmem:v6+s5+$0x0], $0xffff  }
0x37: {  	v23 =	vld.idx.msk [tilespmem:v7+s5+$0x0], $0xffff;
	_ =	sdelay $0x1  }
0x38: {  	v24 =	vld.idx.msk [tilespmem:v5+s5+$0x0], $0xffff  }
0x39: {  	v49 =	vld.idx.msk [tilespmem:v8+s5+$0x0], $0xffff;
	_ =	sdelay $0x1  }
0x3a: {  	v23 =	vsub.f32 v22, v23;
	_ =	sdelay $0x1  }
0x3b: {  	v50 =	vsub.f32 v22, v24;
	v22 =	vsub.f32 v24, v22;
	v23 =	vmul.f32 $5.000000000e-01, v23  }
0x3c: {  	v25 =	vsub.f32 v49, v24  }
0x3d: {  	v26 =	vmul.f32 $3.000000000e+00, v50;
	v22 =	vadd.f32 v22, v22;
	v51 =	vadd.f32 v23, v23;
	_ =	sdelay $0x1  }
0x3e: {  	v25 =	vmul.f32 $5.000000000e-01, v25;
	v22 =	vadd.f32 v23, v22;
	v26 =	vsub.f32 v26, v51;
	_ =	sdelay $0x1  }
0x3f: {  	v22 =	vadd.f32 v25, v22;
	v26 =	vsub.f32 v26, v25  }
0x40: {  	[tilespmem:$0x90] =	vst v24  }
0x41: {  	[tilespmem:$0x110] =	vst v23;
	v22 =	vpack.i.f32.bf16 v22, v26  }
0x42: {  	[tilespmem:$0x190] =	vst v22  }
0x43: {  	v22 =	vld.idx.msk [tilespmem:v10+s5+$0x0], $0xffff  }
0x44: {  	v23 =	vld.idx.msk [tilespmem:v11+s5+$0x0], $0xffff;
	_ =	sdelay $0x1  }
0x45: {  	v24 =	vld.idx.msk [tilespmem:v9+s5+$0x0], $0xffff  }
0x46: {  	v52 =	vld.idx.msk [tilespmem:v12+s5+$0x0], $0xffff;
	_ =	sdelay $0x1  }
0x47: {  	v23 =	vsub.f32 v22, v23;
	_ =	sdelay $0x1  }
0x48: {  	v53 =	vsub.f32 v22, v24;
	v22 =	vsub.f32 v24, v22;
	v23 =	vmul.f32 $5.000000000e-01, v23  }
0x49: {  	v25 =	vsub.f32 v52, v24  }
0x4a: {  	v26 =	vmul.f32 $3.000000000e+00, v53;
	v22 =	vadd.f32 v22, v22;
	v54 =	vadd.f32 v23, v23;
	_ =	sdelay $0x1  }
0x4b: {  	v25 =	vmul.f32 $5.000000000e-01, v25;
	v22 =	vadd.f32 v23, v22;
	v26 =	vsub.f32 v26, v54;
	_ =	sdelay $0x1  }
0x4c: {  	v22 =	vadd.f32 v25, v22;
	v26 =	vsub.f32 v26, v25  }
0x4d: {  	[tilespmem:$0xA0] =	vst v24  }
0x4e: {  	[tilespmem:$0x120] =	vst v23;
	v22 =	vpack.i.f32.bf16 v22, v26  }
0x4f: {  	[tilespmem:$0x1A0] =	vst v22  }
0x50: {  	v22 =	vld.idx.msk [tilespmem:v14+s5+$0x0], $0xffff  }
0x51: {  	v23 =	vld.idx.msk [tilespmem:v18+s5+$0x0], $0xffff;
	_ =	sdelay $0x1  }
0x52: {  	v24 =	vld.idx.msk [tilespmem:v13+s5+$0x0], $0xffff  }
0x53: {  	v55 =	vld.idx.msk [tilespmem:v19+s5+$0x0], $0xffff;
	_ =	sdelay $0x1  }
0x54: {  	v23 =	vsub.f32 v22, v23;
	_ =	sdelay $0x1  }
0x55: {  	v56 =	vsub.f32 v22, v24;
	v22 =	vsub.f32 v24, v22;
	v23 =	vmul.f32 $5.000000000e-01, v23  }
0x56: {  	v25 =	vsub.f32 v55, v24  }
0x57: {  	v26 =	vmul.f32 $3.000000000e+00, v56;
	v22 =	vadd.f32 v22, v22;
	v57 =	vadd.f32 v23, v23;
	_ =	sdelay $0x1  }
0x58: {  	v25 =	vmul.f32 $5.000000000e-01, v25;
	v22 =	vadd.f32 v23, v22;
	v26 =	vsub.f32 v26, v57;
	_ =	sdelay $0x1  }
0x59: {  	v22 =	vadd.f32 v25, v22;
	v26 =	vsub.f32 v26, v25  }
0x5a: {  	[tilespmem:$0xB0] =	vst v24  }
0x5b: {  	[tilespmem:$0x130] =	vst v23;
	v22 =	vpack.i.f32.bf16 v22, v26  }
0x5c: {  	[tilespmem:$0x1B0] =	vst v22  }
0x5d: {  	v22 =	vld.idx.msk [tilespmem:v16+s5+$0x0], $0xffff  }
0x5e: {  	v23 =	vld.idx.msk [tilespmem:v17+s5+$0x0], $0xffff;
	_ =	sdelay $0x1  }
0x5f: {  	v24 =	vld.idx.msk [tilespmem:v15+s5+$0x0], $0xffff  }
0x60: {  	v58 =	vld.idx.msk [tilespmem:v20+s5+$0x0], $0xffff;
	_ =	sdelay $0x1  }
0x61: {  	v23 =	vsub.f32 v22, v23;
	_ =	sdelay $0x1  }
0x62: {  	v59 =	vsub.f32 v22, v24;
	v60 =	vsub.f32 v24, v22;
	v23 =	vmul.f32 $5.000000000e-01, v23  }
0x63: {  	v25 =	vsub.f32 v58, v24  }
0x64: {  	v61 =	vmul.f32 $3.000000000e+00, v59;
	v27 =	vadd.f32 v60, v60;
	v62 =	vadd.f32 v23, v23  }
0x65: {  	v30 =	vmul.f32 v21, v59  }
0x66: {  	v25 =	vmul.f32 $5.000000000e-01, v25;
	v27 =	vadd.f32 v23, v27;
	v28 =	vsub.f32 v61, v62  }
0x67: {  	v22 =	vadd.f32 v30, v22  }
0x68: {  	v28 =	vsub.f32 v28, v25;
	v25 =	vadd.f32 v25, v27  }
0x69: {  	v23 =	vsel vm1, v23, v59  }
0x6a: {  	[tilespmem:$0x140] =	vst v23;
	v22 =	vsel vm1, v24, v22;
	v63 =	vnsel vm1, $0x0, v28;
	v25 =	vnsel vm1, $0x0, v25  }
0x6b: {  	[tilespmem:$0xC0] =	vst v22;
	v22 =	vpack.i.f32.bf16 v25, v63  }
0x6c: {  	s24 =	simm.s32 $0x0;
	[tilespmem:$0x1C0] =	vst v22  }
0x6d: {  	[tilespmem:s12], [sflag:$0x1] =	stream.linear.gather [hbm4b:s7+s5], $0x2000, $0x38;
	[tilespmem:$0x8200] =	vst v63  }
.LBB2_2:
0x6e: {  	s26 =	sshll.u32 s24, $0xE  }
0x6f: {  	s2 =	sadd.s32 s8, s26  }
0x70: {  	s25 =	sshrl.u32 s2, $0x3  }
0x71: {  	s2 =	sadd.s32 s0, s25  }
0x72: {  	[tilespmem:s13], [sflag:$0x2] =	stream.linear.gather [hbm4b:s2+s5], $0x2000, $0x38;
	[tilespmem:$0x8200] =	vst v63  }
0x73: {  	_ =	swait.ge [sflag:s14], $0x2000  }
0x74: {  	p0 =	seq.s32 s24, $0x0;
	[sflag:s14] =	ssyncset.done $0x0  }
0x75: {  	s2 =	simm.s32 @!p0 $0x3;
	[sflag:s14] =	ssyncadd.s32 $0xFFFFE000  }
0x76: {  	_ =	swait.ge @!p0 [sflag:s2], $0x2000  }
0x77: {  	[sflag:s2] =	ssyncset.done @!p0 $0x0  }
0x78: {  	[sflag:s2] =	ssyncadd.s32 @!p0 $0xFFFFE000;
	s2 =	simm.s32 $0x220  }
0x79: {  	v22 =	vld [tilespmem:s2+$0x10];
	_ =	sdelay $0x4  }
0x7a: {  	v22 =	vmul.f32 $6.300000000e+01, v22  }
0x7b: {  	v23 =	vld [tilespmem:s2+$0xFFFFFFE0]  }
0x7c: {  	v26 =	vld [tilespmem:s2+$0x0];
	v22 =	vadd.f32 $8.000000000e+00, v22  }
0x7d: {  	v25 =	vld [tilespmem:s2+$0xFFFFFFF0];
	s2 =	simm.s32 $0x260  }
0x7e: {  	v28 =	vld [tilespmem:s2+$0x10];
	v24 =	vtrunc.f32 v22  }
0x7f: {  	v33 =	vld [tilespmem:s2+$0x0];
	v24 =	vcvt.f32.s32 v24;
	_ =	sdelay $0x1  }
0x80: {  	v23 =	vmul.f32 $6.300000000e+01, v23;
	v26 =	vmul.f32 $6.300000000e+01, v26;
	_ =	sdelay $0x1  }
0x81: {  	v25 =	vmul.f32 $6.300000000e+01, v25;
	v23 =	vadd.f32 $8.000000000e+00, v23;
	v26 =	vadd.f32 $8.000000000e+00, v26  }
0x82: {  	v28 =	vmul.f32 $6.300000000e+01, v28;
	v33 =	vmul.f32 $6.300000000e+01, v33  }
0x83: {  	v25 =	vadd.f32 $8.000000000e+00, v25;
	v29 =	vtrunc.f32 v23;
	v34 =	vtrunc.f32 v26;
	v27 =	vld.idx.msk [tilespmem:v24+s17+$0x0], $0xffff  }
0x84: {  	v28 =	vadd.f32 $8.000000000e+00, v28;
	v29 =	vcvt.f32.s32 v29;
	v30 =	vcvt.s32.f32 v24  }
0x85: {  	v31 =	vld [tilespmem:s2+$0xFFFFFFF0];
	v33 =	vadd.f32 $8.000000000e+00, v33;
	v32 =	vtrunc.f32 v25;
	v36 =	vcvt.f32.s32 v34  }
0x86: {  	v35 =	vcvt.f32.s32 v32;
	v22 =	vsub.f32 v22, v30;
	v30 =	vld [tilespmem:s2+$0xFFFFFFE0]  }
0x87: {  	v40 =	vtrunc.f32 v28;
	v59 =	vtrunc.f32 v33  }
0x88: {  	v40 =	vcvt.f32.s32 v40;
	v54 =	vcvt.s32.f32 v29;
	v55 =	vunpack.i.u.bf16.f32 v27  }
0x89: {  	v38 =	vcvt.s32.f32 v36;
	v39 =	vld.idx.msk [tilespmem:v24+s16+$0x0], $0xffff;
	v34 =	vmul.f32 v22, v55  }
0x8a: {  	v32 =	vsub.f32 v23, v54;
	v23 =	vmul.f32 $6.300000000e+01, v31;
	v31 =	vld.idx.msk [tilespmem:v29+s17+$0x0], $0xffff;
	v27 =	vunpack.i.l.bf16.f32 v27  }
0x8b: {  	v37 =	vcvt.s32.f32 v35;
	v57 =	vld.idx.msk [tilespmem:v36+s17+$0x0], $0xffff;
	v30 =	vmul.f32 $6.300000000e+01, v30;
	v27 =	vadd.f32 v34, v27  }
0x8c: {  	v26 =	vsub.f32 v26, v38;
	v38 =	vcvt.f32.s32 v59;
	v56 =	vld.idx.msk [tilespmem:v35+s17+$0x0], $0xffff;
	v23 =	vadd.f32 $8.000000000e+00, v23  }
0x8d: {  	v50 =	vcvt.s32.f32 v40;
	v30 =	vadd.f32 $8.000000000e+00, v30;
	v27 =	vmul.f32 v27, v22  }
0x8e: {  	v25 =	vsub.f32 v25, v37;
	v24 =	vld.idx.msk [tilespmem:v24+s15+$0x0], $0xffff;
	v48 =	vcvt.s32.f32 v38;
	v58 =	vtrunc.f32 v23  }
0x8f: {  	s2 =	simm.s32 $0x2A0;
	v42 =	vunpack.i.u.bf16.f32 v31;
	v41 =	vtrunc.f32 v30;
	v27 =	vadd.f32 v27, v39  }
0x90: {  	v60 =	vld [tilespmem:s2+$0x10];
	v44 =	vunpack.i.u.bf16.f32 v57;
	v42 =	vmul.f32 v32, v42;
	v41 =	vcvt.f32.s32 v41  }
0x91: {  	v43 =	vld.idx.msk [tilespmem:v29+s16+$0x0], $0xffff;
	v44 =	vmul.f32 v26, v44;
	v22 =	vmul.f32 v27, v22;
	v27 =	vunpack.i.u.bf16.f32 v56  }
0x92: {  	v46 =	vld.idx.msk [tilespmem:v35+s16+$0x0], $0xffff;
	v34 =	vunpack.i.l.bf16.f32 v56;
	v45 =	vcvt.s32.f32 v41;
	v27 =	vmul.f32 v25, v27  }
0x93: {  	v39 =	vcvt.f32.s32 v58;
	v47 =	vadd.f32 v22, v24;
	v24 =	vunpack.i.l.bf16.f32 v31;
	v31 =	vld.idx.msk [tilespmem:v40+s17+$0x0], $0xffff  }
0x94: {  	v49 =	vld.idx.msk [tilespmem:v36+s16+$0x0], $0xffff;
	v42 =	vadd.f32 v42, v24;
	v24 =	vunpack.i.l.bf16.f32 v57;
	v27 =	vadd.f32 v27, v34  }
0x95: {  	v22 =	vcvt.s32.f32 v39;
	v61 =	vadd.f32 v44, v24;
	v24 =	vsub.f32 v30, v45;
	v30 =	vld [tilespmem:s2+$0xFFFFFFF0]  }
0x96: {  	v62 =	vld [tilespmem:s2+$0x0];
	v63 =	vsub.f32 v28, v50;
	v37 =	vmul.f32 $6.300000000e+01, v60;
	v42 =	vmul.f32 v42, v32  }
0x97: {  	v56 =	vld [tilespmem:s2+$0xFFFFFFE0];
	v23 =	vsub.f32 v23, v22;
	v22 =	vsub.f32 v33, v48;
	v27 =	vmul.f32 v27, v25  }
0x98: {  	v50 =	vld.idx.msk [tilespmem:v38+s17+$0x0], $0xffff;
	v28 =	vmul.f32 v61, v26;
	v57 =	vunpack.i.u.bf16.f32 v31;
	v58 =	vadd.f32 v42, v43  }
0x99: {  	v27 =	vadd.f32 v27, v46;
	v31 =	vunpack.i.l.bf16.f32 v31;
	v33 =	vmul.f32 v63, v57  }
0x9a: {  	v46 =	vld.idx.msk [tilespmem:v41+s17+$0x0], $0xffff;
	v28 =	vadd.f32 v28, v49;
	v43 =	vmul.f32 v58, v32;
	v30 =	vmul.f32 $6.300000000e+01, v30  }
0x9b: {  	v59 =	vld.idx.msk [tilespmem:v40+s16+$0x0], $0xffff;
	v32 =	vmul.f32 v27, v25;
	v25 =	vmul.f32 $6.300000000e+01, v62;
	v31 =	vadd.f32 v33, v31  }
0x9c: {  	v29 =	vld.idx.msk [tilespmem:v29+s15+$0x0], $0xffff;
	v33 =	vadd.f32 $8.000000000e+00, v37;
	v34 =	vmul.f32 v28, v26;
	v26 =	vmul.f32 $6.300000000e+01, v56  }
0x9d: {  	v54 =	vunpack.i.u.bf16.f32 v50;
	v40 =	vld.idx.msk [tilespmem:v40+s15+$0x0], $0xffff;
	v48 =	vadd.f32 $8.000000000e+00, v30;
	v51 =	vadd.f32 $8.000000000e+00, v25  }
0x9e: {  	v49 =	vld.idx.msk [tilespmem:v39+s17+$0x0], $0xffff;
	v27 =	vmul.f32 v31, v63;
	v25 =	vtrunc.f32 v33;
	v52 =	vadd.f32 $8.000000000e+00, v26  }
0x9f: {  	v37 =	vld.idx.msk [tilespmem:v39+s16+$0x0], $0xffff;
	v60 =	vunpack.i.u.bf16.f32 v46;
	v57 =	vunpack.i.l.bf16.f32 v46;
	v46 =	vmul.f32 v22, v54  }
0xa0: {  	v30 =	vld.idx.msk [tilespmem:v35+s15+$0x0], $0xffff;
	v28 =	vcvt.f32.s32 v25;
	v26 =	vtrunc.f32 v48;
	v25 =	vadd.f32 v27, v59  }
0xa1: {  	v43 =	vadd.f32 v43, v29;
	v35 =	vld.idx.msk [tilespmem:v41+s16+$0x0], $0xffff;
	v29 =	vtrunc.f32 v51;
	v27 =	vtrunc.f32 v52  }
0xa2: {  	v31 =	vld.idx.msk [tilespmem:v36+s15+$0x0], $0xffff;
	v27 =	vcvt.f32.s32 v27;
	v61 =	vmul.f32 v25, v63  }
0xa3: {  	s30 =	simm.s32 $0x4220;
	v53 =	vunpack.i.u.bf16.f32 v49;
	v25 =	vcvt.f32.s32 v26;
	v26 =	vcvt.f32.s32 v29;
	v29 =	vld.idx.msk [tilespmem:v41+s15+$0x0], $0xffff  }
0xa4: {  	[tilespmem:s30+$0x10] =	vst v47;
	v55 =	vmul.f32 v24, v60;
	v62 =	vcvt.s32.f32 v27;
	v56 =	vadd.f32 v61, v40;
	v40 =	vld.idx.msk [tilespmem:v39+s15+$0x0], $0xffff  }
0xa5: {  	[tilespmem:s30+$0xFFFFFFE0] =	vst v43;
	v44 =	vunpack.i.l.bf16.f32 v49;
	v63 =	vcvt.s32.f32 v25;
	v58 =	vcvt.s32.f32 v26;
	v39 =	vld.idx.msk [tilespmem:v38+s15+$0x0], $0xffff  }
0xa6: {  	s29 =	simm.s32 $0x4260;
	v45 =	vmul.f32 v23, v53;
	v47 =	vadd.f32 v55, v57;
	v41 =	vsub.f32 v52, v62;
	v43 =	vld.idx.msk [tilespmem:v28+s17+$0x0], $0xffff  }
0xa7: {  	s31 =	simm.s32 $0x8;
	s28 =	sor.u32 s6, s26;
	s2 =	simm.s32 $0x2E0;
	v42 =	vld.idx.msk [tilespmem:v38+s16+$0x0], $0xffff;
	v36 =	vsub.f32 v48, v63;
	[tilespmem:s29+$0x10] =	vst v56;
	v38 =	vsub.f32 v51, v58;
	v48 =	vunpack.i.l.bf16.f32 v50  }
.LBB2_3:
0xa8: {  	v49 =	vld [tilespmem:s2+$0x10];
	s31 =	sadd.s32 $0x4, s31;
	v50 =	vcvt.s32.f32 v28;
	v44 =	vadd.f32 v45, v44;
	v45 =	vadd.f32 v46, v48  }
0xa9: {  	v32 =	vadd.f32 v32, v30;
	v34 =	vadd.f32 v34, v31;
	v30 =	vmovc v40;
	v46 =	vld [tilespmem:s2+$0xFFFFFFF0];
	p1 =	slt.u32 s31, $0x1FC;
	v47 =	vmul.f32 v47, v24  }
0xaa: {  	v31 =	vmovc v39;
	v40 =	vld [tilespmem:s2+$0x0];
	v48 =	vsub.f32 v33, v50;
	v33 =	vmul.f32 v44, v23;
	v44 =	vmul.f32 v45, v22  }
0xab: {  	v45 =	vunpack.i.u.bf16.f32 v43;
	v39 =	vld [tilespmem:s2+$0xFFFFFFE0];
	v35 =	vadd.f32 v47, v35;
	[tilespmem:s30+$0xFFFFFFF0] =	vst v32  }
0xac: {  	v47 =	vld.idx.msk [tilespmem:v28+s16+$0x0], $0xffff;
	v32 =	vmul.f32 v48, v45;
	v33 =	vadd.f32 v33, v37;
	v37 =	vadd.f32 v44, v42  }
0xad: {  	v43 =	vunpack.i.l.bf16.f32 v43;
	v42 =	vmul.f32 $6.300000000e+01, v49;
	v44 =	vld.idx.msk [tilespmem:v27+s17+$0x0], $0xffff;
	v45 =	vmul.f32 v35, v24;
	[tilespmem:s30+$0x0] =	vst v34;
	v24 =	vmovc v41;
	s30 =	smov.u32 s29  }
0xae: {  	v35 =	vmul.f32 $6.300000000e+01, v46;
	v41 =	vld.idx.msk [tilespmem:v25+s17+$0x0], $0xffff;
	v43 =	vadd.f32 v32, v43;
	v32 =	vmul.f32 v33, v23;
	v23 =	vmovc v36  }
0xaf: {  	v34 =	vmul.f32 v37, v22;
	v22 =	vmovc v38;
	v36 =	vmul.f32 $6.300000000e+01, v40;
	v33 =	vadd.f32 $8.000000000e+00, v42;
	v49 =	vld.idx.msk [tilespmem:v26+s17+$0x0], $0xffff  }
0xb0: {  	v37 =	vmul.f32 $6.300000000e+01, v39;
	v38 =	vadd.f32 $8.000000000e+00, v35;
	v46 =	vld.idx.msk [tilespmem:v28+s15+$0x0], $0xffff;
	v39 =	vmul.f32 v43, v48  }
0xb1: {  	v29 =	vadd.f32 v45, v29;
	v50 =	vadd.f32 $8.000000000e+00, v36;
	v28 =	vtrunc.f32 v33;
	v35 =	vld.idx.msk [tilespmem:v27+s16+$0x0], $0xffff  }
0xb2: {  	v36 =	vadd.f32 $8.000000000e+00, v37;
	v28 =	vcvt.f32.s32 v28;
	v37 =	vld.idx.msk [tilespmem:v25+s16+$0x0], $0xffff;
	v39 =	vadd.f32 v39, v47  }
0xb3: {  	v43 =	vtrunc.f32 v38;
	v47 =	vunpack.i.u.bf16.f32 v44;
	v45 =	vtrunc.f32 v50;
	v42 =	vld.idx.msk [tilespmem:v26+s16+$0x0], $0xffff;
	[tilespmem:s29+$0xFFFFFFE0] =	vst v29  }
0xb4: {  	v51 =	vunpack.i.u.bf16.f32 v41;
	v40 =	vtrunc.f32 v36;
	v29 =	vld.idx.msk [tilespmem:v27+s15+$0x0], $0xffff;
	v48 =	vmul.f32 v39, v48  }
0xb5: {  	v52 =	vunpack.i.u.bf16.f32 v49;
	v27 =	vcvt.f32.s32 v40;
	v40 =	vld.idx.msk [tilespmem:v25+s15+$0x0], $0xffff;
	v25 =	vcvt.f32.s32 v43  }
.Ltmp0:
0xb6: {  	v47 =	vmul.f32 v24, v47;
	v39 =	vld.idx.msk [tilespmem:v26+s15+$0x0], $0xffff;
	v26 =	vcvt.f32.s32 v45;
	v46 =	vadd.f32 v48, v46;
	(pc) =	sbr.rel @p1 .LBB2_3-.Ltmp0, $4  }
0xb7: {  	v54 =	vunpack.i.l.bf16.f32 v44;
	s29 =	sadd.s32 $0x40, s29;
	v48 =	vcvt.s32.f32 v27;
	v53 =	vcvt.s32.f32 v25  }
0xb8: {  	v44 =	vunpack.i.l.bf16.f32 v41;
	v45 =	vmul.f32 v23, v51;
	v55 =	vcvt.s32.f32 v26;
	v43 =	vld.idx.msk [tilespmem:v28+s17+$0x0], $0xffff;
	[tilespmem:s29+$0x10] =	vst v46  }
0xb9: {  	v46 =	vmul.f32 v22, v52;
	v41 =	vsub.f32 v36, v48;
	v36 =	vsub.f32 v38, v53  }
0xba: {  	s2 =	sadd.s32 $0x40, s2;
	v47 =	vadd.f32 v47, v54;
	v48 =	vunpack.i.l.bf16.f32 v49;
	v38 =	vsub.f32 v50, v55  }
0xbb: {  	_ =	sdelay $0x3  }
0xbc: {  	v62 =	vld.idx.msk [tilespmem:v27+s17+$0x0], $0xffff  }
0xbd: {  	v49 =	vcvt.s32.f32 v28;
	v44 =	vadd.f32 v45, v44;
	v52 =	vld.idx.msk [tilespmem:v25+s17+$0x0], $0xffff  }
0xbe: {  	v61 =	vadd.f32 v46, v48;
	v30 =	vadd.f32 v32, v30;
	v54 =	vld.idx.msk [tilespmem:v26+s17+$0x0], $0xffff;
	v47 =	vmul.f32 v47, v24  }
0xbf: {  	v31 =	vadd.f32 v34, v31;
	v33 =	vsub.f32 v33, v49;
	v53 =	vmul.f32 v44, v23  }
0xc0: {  	v63 =	vunpack.i.u.bf16.f32 v43;
	v45 =	vmul.f32 v61, v22;
	v35 =	vadd.f32 v47, v35  }
0xc1: {  	v55 =	vunpack.i.l.bf16.f32 v43;
	v32 =	vmul.f32 v33, v63;
	v34 =	vadd.f32 v53, v37  }
0xc2: {  	v56 =	vld.idx.msk [tilespmem:v28+s16+$0x0], $0xffff;
	v37 =	vadd.f32 v45, v42;
	v57 =	vmul.f32 v35, v24;
	v58 =	vunpack.i.u.bf16.f32 v62  }
0xc3: {  	v28 =	vld.idx.msk [tilespmem:v28+s15+$0x0], $0xffff;
	v59 =	vunpack.i.u.bf16.f32 v52;
	v61 =	vunpack.i.u.bf16.f32 v54;
	v35 =	vmul.f32 v41, v58  }
0xc4: {  	v60 =	vld.idx.msk [tilespmem:v27+s16+$0x0], $0xffff;
	v46 =	vunpack.i.l.bf16.f32 v62;
	v32 =	vadd.f32 v32, v55;
	v42 =	vmul.f32 v36, v59  }
0xc5: {  	v62 =	vld.idx.msk [tilespmem:v25+s16+$0x0], $0xffff;
	v48 =	vunpack.i.l.bf16.f32 v52;
	v45 =	vmul.f32 v38, v61;
	v35 =	vadd.f32 v35, v46  }
0xc6: {  	[tilespmem:s30+$0xFFFFFFF0] =	vst v30;
	v63 =	vld.idx.msk [tilespmem:v26+s16+$0x0], $0xffff;
	v44 =	vunpack.i.l.bf16.f32 v54;
	v32 =	vmul.f32 v32, v33;
	v42 =	vadd.f32 v42, v48  }
0xc7: {  	[tilespmem:s30+$0x0] =	vst v31;
	v23 =	vmul.f32 v34, v23;
	v50 =	vadd.f32 v45, v44;
	v51 =	vmul.f32 v35, v41  }
0xc8: {  	v52 =	vld.idx.msk [tilespmem:v27+s15+$0x0], $0xffff;
	v22 =	vmul.f32 v37, v22;
	v32 =	vadd.f32 v32, v56;
	v54 =	vmul.f32 v42, v36  }
0xc9: {  	v55 =	vld.idx.msk [tilespmem:v25+s15+$0x0], $0xffff;
	v24 =	vadd.f32 v57, v29;
	v56 =	vmul.f32 v50, v38;
	v57 =	vadd.f32 v51, v60  }
0xca: {  	v58 =	vld.idx.msk [tilespmem:v26+s15+$0x0], $0xffff;
	v23 =	vadd.f32 v23, v40;
	v53 =	vmul.f32 v32, v33;
	v59 =	vadd.f32 v54, v62  }
0xcb: {  	v22 =	vadd.f32 v22, v39;
	[tilespmem:s29+$0xFFFFFFE0] =	vst v24;
	v60 =	vadd.f32 v56, v63;
	v61 =	vmul.f32 v57, v41  }
0xcc: {  	[tilespmem:s29+$0xFFFFFFF0] =	vst v23;
	v28 =	vadd.f32 v53, v28;
	v62 =	vmul.f32 v59, v36  }
0xcd: {  	s2 =	sadd.s32 $0x40, s29;
	p1 =	sne.s32 s24, $0x1F;
	[tilespmem:s29+$0x0] =	vst v22;
	v23 =	vmul.f32 v60, v38;
	v63 =	vadd.f32 v61, v52  }
.Ltmp1:
0xce: {  	[tilespmem:s2+$0x10] =	vst v28;
	v22 =	vadd.f32 v62, v55;
	(pc) =	sbr.rel @p1 .LBB2_6-.Ltmp1, $4  }
0xcf: {  	v23 =	vadd.f32 v23, v58;
	[tilespmem:s2+$0xFFFFFFE0] =	vst v63  }
0xd0: {  	s28 =	sshrl.u32 s28, $0x3;
	[tilespmem:s2+$0xFFFFFFF0] =	vst v22  }
0xd1: {  	s31 =	sadd.s32 s3, s28;
	[tilespmem:s2+$0x0] =	vst v23  }
0xd2: {  	[hbm4b:s31+s5] =	stream.linear.scatter [tilespmem:s18], [sflag:$0x3], $0x2000, $0x38;
	[tilespmem:$0x8200] =	vst v63  }
.Ltmp2:
0xd3: {  	(pc) =	sbr.rel .LBB2_7-.Ltmp2, $4  }
0xd4: {  	_ = 	snop  }
0xd5: {  	_ =	swait.ge [sflag:s19], $0x2000  }
0xd6: {  	[sflag:s19] =	ssyncset.done $0x0  }
0xd7: {  	[sflag:s19] =	ssyncadd.s32 $0xFFFFE000  }
.LBB2_6:
0xd8: {  	s2 =	sadd.s32 s26, s9  }
0xd9: {  	s2 =	sshrl.u32 s2, $0x3  }
.Ltmp3:
0xda: {  	s2 =	sadd.s32 s0, s2;
	(pc) =	sbr.rel @p0 .LBB2_8-.Ltmp3, $4  }
0xdb: {  	[tilespmem:s12], [sflag:$0x1] =	stream.linear.gather [hbm4b:s2+s5], $0x2000, $0x38;
	[tilespmem:$0x8200] =	vst v63  }
0xdc: {  	_ =	swait.ge [sflag:s19], $0x2000  }
0xdd: {  	[sflag:s19] =	ssyncset.done $0x0  }
0xde: {  	[sflag:s19] =	ssyncadd.s32 $0xFFFFE000  }
.LBB2_7:
0xdf: {  	_ =	swait.ge [sflag:s20], $0x2000  }
0xe0: {  	[sflag:s20] =	ssyncset.done $0x0  }
0xe1: {  	[sflag:s20] =	ssyncadd.s32 $0xFFFFE000  }
.LBB2_8:
0xe2: {  	s2 =	simm.s32 $0x2220  }
0xe3: {  	v22 =	vld [tilespmem:s2+$0x10];
	_ =	sdelay $0x4  }
0xe4: {  	v23 =	vld [tilespmem:s2+$0xFFFFFFE0];
	v22 =	vmul.f32 $6.300000000e+01, v22  }
0xe5: {  	v25 =	vld [tilespmem:s2+$0xFFFFFFF0]  }
0xe6: {  	v26 =	vld [tilespmem:s2+$0x0];
	v22 =	vadd.f32 $8.000000000e+00, v22  }
0xe7: {  	s30 =	simm.s32 $0x2260  }
0xe8: {  	v28 =	vld [tilespmem:s30+$0x10];
	v24 =	vtrunc.f32 v22  }
0xe9: {  	v33 =	vld [tilespmem:s30+$0x0];
	v24 =	vcvt.f32.s32 v24  }
0xea: {  	v23 =	vmul.f32 $6.300000000e+01, v23  }
0xeb: {  	v25 =	vmul.f32 $6.300000000e+01, v25;
	v26 =	vmul.f32 $6.300000000e+01, v26  }
0xec: {  	v23 =	vadd.f32 $8.000000000e+00, v23  }
0xed: {  	v28 =	vmul.f32 $6.300000000e+01, v28;
	v25 =	vadd.f32 $8.000000000e+00, v25;
	v26 =	vadd.f32 $8.000000000e+00, v26  }
0xee: {  	v33 =	vmul.f32 $6.300000000e+01, v33;
	v29 =	vtrunc.f32 v23  }
0xef: {  	v28 =	vadd.f32 $8.000000000e+00, v28;
	v32 =	vtrunc.f32 v25;
	v34 =	vtrunc.f32 v26;
	v27 =	vld.idx.msk [tilespmem:v24+s17+$0x0], $0xffff  }
0xf0: {  	v33 =	vadd.f32 $8.000000000e+00, v33;
	v29 =	vcvt.f32.s32 v29;
	v30 =	vcvt.s32.f32 v24  }
0xf1: {  	v31 =	vld [tilespmem:s30+$0xFFFFFFF0];
	v40 =	vtrunc.f32 v28;
	v36 =	vcvt.f32.s32 v34  }
0xf2: {  	v58 =	vtrunc.f32 v33;
	v35 =	vcvt.f32.s32 v32;
	v22 =	vsub.f32 v22, v30;
	v30 =	vld [tilespmem:s30+$0xFFFFFFE0]  }
0xf3: {  	s31 =	simm.s32 $0x22A0;
	v40 =	vcvt.f32.s32 v40;
	v43 =	vcvt.f32.s32 v58  }
0xf4: {  	v60 =	vld [tilespmem:s31+$0x10];
	v53 =	vcvt.s32.f32 v29;
	v37 =	vcvt.s32.f32 v35;
	v54 =	vunpack.i.u.bf16.f32 v27  }
0xf5: {  	v38 =	vcvt.s32.f32 v36;
	v39 =	vld.idx.msk [tilespmem:v24+s16+$0x0], $0xffff;
	v34 =	vmul.f32 v22, v54  }
0xf6: {  	v32 =	vsub.f32 v23, v53;
	v23 =	vmul.f32 $6.300000000e+01, v31;
	v31 =	vld.idx.msk [tilespmem:v29+s17+$0x0], $0xffff;
	v27 =	vunpack.i.l.bf16.f32 v27  }
0xf7: {  	v48 =	vcvt.s32.f32 v43;
	v56 =	vld.idx.msk [tilespmem:v36+s17+$0x0], $0xffff;
	v30 =	vmul.f32 $6.300000000e+01, v30;
	v27 =	vadd.f32 v34, v27  }
0xf8: {  	v50 =	vcvt.s32.f32 v40;
	v25 =	vsub.f32 v25, v37;
	v55 =	vld.idx.msk [tilespmem:v35+s17+$0x0], $0xffff;
	v23 =	vadd.f32 $8.000000000e+00, v23  }
0xf9: {  	v26 =	vsub.f32 v26, v38;
	v30 =	vadd.f32 $8.000000000e+00, v30;
	v27 =	vmul.f32 v27, v22  }
0xfa: {  	v63 =	vsub.f32 v28, v50;
	v37 =	vmul.f32 $6.300000000e+01, v60;
	v24 =	vld.idx.msk [tilespmem:v24+s15+$0x0], $0xffff;
	v57 =	vtrunc.f32 v23  }
0xfb: {  	v42 =	vunpack.i.u.bf16.f32 v31;
	v41 =	vtrunc.f32 v30;
	v27 =	vadd.f32 v27, v39  }
0xfc: {  	v59 =	vld.idx.msk [tilespmem:v29+s16+$0x0], $0xffff;
	v44 =	vunpack.i.u.bf16.f32 v56;
	v42 =	vmul.f32 v32, v42;
	v41 =	vcvt.f32.s32 v41  }
0xfd: {  	v50 =	vld.idx.msk [tilespmem:v43+s17+$0x0], $0xffff;
	v44 =	vmul.f32 v26, v44;
	v22 =	vmul.f32 v27, v22;
	v27 =	vunpack.i.u.bf16.f32 v55  }
0xfe: {  	v46 =	vld.idx.msk [tilespmem:v35+s16+$0x0], $0xffff;
	v34 =	vunpack.i.l.bf16.f32 v55;
	v45 =	vcvt.s32.f32 v41;
	v27 =	vmul.f32 v25, v27  }
0xff: {  	v39 =	vcvt.f32.s32 v57;
	v47 =	vadd.f32 v22, v24;
	v24 =	vunpack.i.l.bf16.f32 v31;
	v31 =	vld.idx.msk [tilespmem:v40+s17+$0x0], $0xffff  }
0x100: {  	v49 =	vld.idx.msk [tilespmem:v36+s16+$0x0], $0xffff;
	v42 =	vadd.f32 v42, v24;
	v24 =	vunpack.i.l.bf16.f32 v56;
	v27 =	vadd.f32 v27, v34  }
0x101: {  	v22 =	vcvt.s32.f32 v39;
	v61 =	vadd.f32 v44, v24;
	v24 =	vsub.f32 v30, v45;
	v30 =	vld [tilespmem:s31+$0xFFFFFFF0]  }
0x102: {  	v62 =	vld [tilespmem:s31+$0x0];
	v53 =	vunpack.i.u.bf16.f32 v50;
	v42 =	vmul.f32 v42, v32;
	v27 =	vmul.f32 v27, v25  }
0x103: {  	v55 =	vld [tilespmem:s31+$0xFFFFFFE0];
	v23 =	vsub.f32 v23, v22;
	v22 =	vsub.f32 v33, v48;
	v28 =	vmul.f32 v61, v26  }
0x104: {  	v29 =	vld.idx.msk [tilespmem:v29+s15+$0x0], $0xffff;
	v56 =	vunpack.i.u.bf16.f32 v31;
	v57 =	vadd.f32 v42, v59;
	v27 =	vadd.f32 v27, v46  }
0x105: {  	v58 =	vld.idx.msk [tilespmem:v40+s16+$0x0], $0xffff;
	v31 =	vunpack.i.l.bf16.f32 v31;
	v46 =	vmul.f32 v22, v53;
	v33 =	vmul.f32 v63, v56  }
0x106: {  	v40 =	vld.idx.msk [tilespmem:v40+s15+$0x0], $0xffff;
	v28 =	vadd.f32 v28, v49;
	v42 =	vmul.f32 v57, v32;
	v30 =	vmul.f32 $6.300000000e+01, v30  }
0x107: {  	v59 =	vld.idx.msk [tilespmem:v41+s17+$0x0], $0xffff;
	v32 =	vmul.f32 v27, v25;
	v25 =	vmul.f32 $6.300000000e+01, v62;
	v31 =	vadd.f32 v33, v31  }
0x108: {  	v38 =	vld.idx.msk [tilespmem:v39+s16+$0x0], $0xffff;
	v33 =	vadd.f32 $8.000000000e+00, v37;
	v34 =	vmul.f32 v28, v26;
	v26 =	vmul.f32 $6.300000000e+01, v55  }
0x109: {  	v49 =	vld.idx.msk [tilespmem:v39+s17+$0x0], $0xffff;
	v37 =	vadd.f32 $8.000000000e+00, v30;
	v48 =	vadd.f32 $8.000000000e+00, v25;
	v27 =	vmul.f32 v31, v63  }
0x10a: {  	v60 =	vadd.f32 v42, v29;
	v30 =	vld.idx.msk [tilespmem:v35+s15+$0x0], $0xffff;
	v25 =	vtrunc.f32 v33;
	v51 =	vadd.f32 $8.000000000e+00, v26  }
0x10b: {  	v35 =	vld.idx.msk [tilespmem:v41+s16+$0x0], $0xffff;
	v28 =	vcvt.f32.s32 v25;
	v26 =	vtrunc.f32 v37;
	v25 =	vadd.f32 v27, v58  }
0x10c: {  	v42 =	vld.idx.msk [tilespmem:v43+s16+$0x0], $0xffff;
	v61 =	vunpack.i.u.bf16.f32 v59;
	v29 =	vtrunc.f32 v48;
	v27 =	vtrunc.f32 v51  }
0x10d: {  	v31 =	vld.idx.msk [tilespmem:v36+s15+$0x0], $0xffff;
	v56 =	vunpack.i.l.bf16.f32 v59;
	v27 =	vcvt.f32.s32 v27;
	v45 =	vmul.f32 v25, v63  }
0x10e: {  	s28 =	simm.s32 $0x6220;
	v52 =	vunpack.i.u.bf16.f32 v49;
	v25 =	vcvt.f32.s32 v26;
	v26 =	vcvt.f32.s32 v29;
	v29 =	vld.idx.msk [tilespmem:v41+s15+$0x0], $0xffff  }
0x10f: {  	[tilespmem:s28+$0x10] =	vst v47;
	v54 =	vmul.f32 v24, v61;
	v62 =	vcvt.s32.f32 v27;
	v55 =	vadd.f32 v45, v40;
	v40 =	vld.idx.msk [tilespmem:v39+s15+$0x0], $0xffff  }
0x110: {  	[tilespmem:s28+$0xFFFFFFE0] =	vst v60;
	v44 =	vunpack.i.l.bf16.f32 v49;
	v63 =	vcvt.s32.f32 v25;
	v57 =	vcvt.s32.f32 v26;
	v39 =	vld.idx.msk [tilespmem:v43+s15+$0x0], $0xffff  }
0x111: {  	s26 =	simm.s32 $0x6260;
	v47 =	vadd.f32 v54, v56;
	v45 =	vmul.f32 v23, v52;
	v41 =	vsub.f32 v51, v62;
	v43 =	vld.idx.msk [tilespmem:v28+s17+$0x0], $0xffff  }
0x112: {  	s29 =	simm.s32 $0x8;
	s2 =	simm.s32 $0x22E0;
	v36 =	vsub.f32 v37, v63;
	[tilespmem:s26+$0x10] =	vst v55;
	v37 =	vsub.f32 v48, v57;
	v48 =	vunpack.i.l.bf16.f32 v50  }
.LBB2_9:
0x113: {  	v49 =	vld [tilespmem:s2+$0x10];
	s29 =	sadd.s32 $0x4, s29;
	v50 =	vcvt.s32.f32 v28;
	v44 =	vadd.f32 v45, v44;
	v45 =	vadd.f32 v46, v48  }
0x114: {  	v32 =	vadd.f32 v32, v30;
	v34 =	vadd.f32 v34, v31;
	v30 =	vmovc v40;
	v46 =	vld [tilespmem:s2+$0xFFFFFFF0];
	p0 =	slt.u32 s29, $0x1FC;
	v47 =	vmul.f32 v47, v24  }
0x115: {  	v31 =	vmovc v39;
	v40 =	vld [tilespmem:s2+$0x0];
	v48 =	vsub.f32 v33, v50;
	v33 =	vmul.f32 v44, v23;
	v44 =	vmul.f32 v45, v22  }
0x116: {  	v45 =	vunpack.i.u.bf16.f32 v43;
	v39 =	vld [tilespmem:s2+$0xFFFFFFE0];
	v35 =	vadd.f32 v47, v35;
	[tilespmem:s28+$0xFFFFFFF0] =	vst v32  }
0x117: {  	v47 =	vld.idx.msk [tilespmem:v28+s16+$0x0], $0xffff;
	v32 =	vmul.f32 v48, v45;
	v33 =	vadd.f32 v33, v38;
	v38 =	vadd.f32 v44, v42  }
0x118: {  	v43 =	vunpack.i.l.bf16.f32 v43;
	v42 =	vmul.f32 $6.300000000e+01, v49;
	v44 =	vld.idx.msk [tilespmem:v27+s17+$0x0], $0xffff;
	v45 =	vmul.f32 v35, v24;
	[tilespmem:s28+$0x0] =	vst v34;
	v24 =	vmovc v41;
	s28 =	smov.u32 s26  }
0x119: {  	v35 =	vmul.f32 $6.300000000e+01, v46;
	v41 =	vld.idx.msk [tilespmem:v25+s17+$0x0], $0xffff;
	v43 =	vadd.f32 v32, v43;
	v32 =	vmul.f32 v33, v23;
	v23 =	vmovc v36  }
0x11a: {  	v34 =	vmul.f32 v38, v22;
	v22 =	vmovc v37;
	v36 =	vmul.f32 $6.300000000e+01, v40;
	v33 =	vadd.f32 $8.000000000e+00, v42;
	v49 =	vld.idx.msk [tilespmem:v26+s17+$0x0], $0xffff  }
0x11b: {  	v37 =	vmul.f32 $6.300000000e+01, v39;
	v46 =	vadd.f32 $8.000000000e+00, v35;
	v50 =	vld.idx.msk [tilespmem:v28+s15+$0x0], $0xffff;
	v39 =	vmul.f32 v43, v48  }
0x11c: {  	v29 =	vadd.f32 v45, v29;
	v51 =	vadd.f32 $8.000000000e+00, v36;
	v28 =	vtrunc.f32 v33;
	v35 =	vld.idx.msk [tilespmem:v27+s16+$0x0], $0xffff  }
0x11d: {  	v36 =	vadd.f32 $8.000000000e+00, v37;
	v28 =	vcvt.f32.s32 v28;
	v38 =	vld.idx.msk [tilespmem:v25+s16+$0x0], $0xffff;
	v37 =	vadd.f32 v39, v47  }
0x11e: {  	v39 =	vtrunc.f32 v46;
	v45 =	vunpack.i.u.bf16.f32 v44;
	v43 =	vtrunc.f32 v51;
	v42 =	vld.idx.msk [tilespmem:v26+s16+$0x0], $0xffff;
	[tilespmem:s26+$0xFFFFFFE0] =	vst v29  }
0x11f: {  	v47 =	vunpack.i.u.bf16.f32 v41;
	v40 =	vtrunc.f32 v36;
	v29 =	vld.idx.msk [tilespmem:v27+s15+$0x0], $0xffff;
	v37 =	vmul.f32 v37, v48  }
0x120: {  	v48 =	vunpack.i.u.bf16.f32 v49;
	v27 =	vcvt.f32.s32 v40;
	v40 =	vld.idx.msk [tilespmem:v25+s15+$0x0], $0xffff;
	v25 =	vcvt.f32.s32 v39  }
.Ltmp4:
0x121: {  	v52 =	vmul.f32 v24, v45;
	v39 =	vld.idx.msk [tilespmem:v26+s15+$0x0], $0xffff;
	v26 =	vcvt.f32.s32 v43;
	v37 =	vadd.f32 v37, v50;
	(pc) =	sbr.rel @p0 .LBB2_9-.Ltmp4, $4  }
0x122: {  	v54 =	vunpack.i.l.bf16.f32 v44;
	s26 =	sadd.s32 $0x40, s26;
	v50 =	vcvt.s32.f32 v27;
	v53 =	vcvt.s32.f32 v25  }
0x123: {  	v44 =	vunpack.i.l.bf16.f32 v41;
	v45 =	vmul.f32 v23, v47;
	v55 =	vcvt.s32.f32 v26;
	v43 =	vld.idx.msk [tilespmem:v28+s17+$0x0], $0xffff;
	[tilespmem:s26+$0x10] =	vst v37  }
0x124: {  	v41 =	vsub.f32 v36, v50;
	v36 =	vsub.f32 v46, v53;
	v46 =	vmul.f32 v22, v48  }
0x125: {  	s2 =	sadd.s32 $0x40, s2;
	v47 =	vadd.f32 v52, v54;
	v48 =	vunpack.i.l.bf16.f32 v49;
	v37 =	vsub.f32 v51, v55  }
0x126: {  	_ =	sdelay $0x3  }
0x127: {  	v62 =	vld.idx.msk [tilespmem:v27+s17+$0x0], $0xffff  }
0x128: {  	v49 =	vcvt.s32.f32 v28;
	v44 =	vadd.f32 v45, v44;
	v52 =	vld.idx.msk [tilespmem:v25+s17+$0x0], $0xffff  }
0x129: {  	v61 =	vadd.f32 v46, v48;
	v30 =	vadd.f32 v32, v30;
	v54 =	vld.idx.msk [tilespmem:v26+s17+$0x0], $0xffff;
	v47 =	vmul.f32 v47, v24  }
0x12a: {  	v31 =	vadd.f32 v34, v31;
	v33 =	vsub.f32 v33, v49;
	v53 =	vmul.f32 v44, v23  }
0x12b: {  	v63 =	vunpack.i.u.bf16.f32 v43;
	v45 =	vmul.f32 v61, v22;
	v35 =	vadd.f32 v47, v35  }
0x12c: {  	v55 =	vunpack.i.l.bf16.f32 v43;
	v32 =	vmul.f32 v33, v63;
	v34 =	vadd.f32 v53, v38  }
0x12d: {  	v56 =	vld.idx.msk [tilespmem:v28+s16+$0x0], $0xffff;
	v38 =	vadd.f32 v45, v42;
	v57 =	vmul.f32 v35, v24;
	v58 =	vunpack.i.u.bf16.f32 v62  }
0x12e: {  	v28 =	vld.idx.msk [tilespmem:v28+s15+$0x0], $0xffff;
	v59 =	vunpack.i.u.bf16.f32 v52;
	v61 =	vunpack.i.u.bf16.f32 v54;
	v35 =	vmul.f32 v41, v58  }
0x12f: {  	v60 =	vld.idx.msk [tilespmem:v27+s16+$0x0], $0xffff;
	v46 =	vunpack.i.l.bf16.f32 v62;
	v32 =	vadd.f32 v32, v55;
	v42 =	vmul.f32 v36, v59  }
0x130: {  	v62 =	vld.idx.msk [tilespmem:v25+s16+$0x0], $0xffff;
	v48 =	vunpack.i.l.bf16.f32 v52;
	v45 =	vmul.f32 v37, v61;
	v35 =	vadd.f32 v35, v46  }
0x131: {  	[tilespmem:s28+$0xFFFFFFF0] =	vst v30;
	v63 =	vld.idx.msk [tilespmem:v26+s16+$0x0], $0xffff;
	v44 =	vunpack.i.l.bf16.f32 v54;
	v32 =	vmul.f32 v32, v33;
	v42 =	vadd.f32 v42, v48  }
0x132: {  	[tilespmem:s28+$0x0] =	vst v31;
	v23 =	vmul.f32 v34, v23;
	v50 =	vadd.f32 v45, v44;
	v51 =	vmul.f32 v35, v41  }
0x133: {  	v52 =	vld.idx.msk [tilespmem:v27+s15+$0x0], $0xffff;
	v22 =	vmul.f32 v38, v22;
	v32 =	vadd.f32 v32, v56;
	v54 =	vmul.f32 v42, v36  }
0x134: {  	v55 =	vld.idx.msk [tilespmem:v25+s15+$0x0], $0xffff;
	v24 =	vadd.f32 v57, v29;
	v56 =	vmul.f32 v50, v37;
	v57 =	vadd.f32 v51, v60  }
0x135: {  	v58 =	vld.idx.msk [tilespmem:v26+s15+$0x0], $0xffff;
	v23 =	vadd.f32 v23, v40;
	v53 =	vmul.f32 v32, v33;
	v59 =	vadd.f32 v54, v62  }
0x136: {  	v22 =	vadd.f32 v22, v39;
	[tilespmem:s26+$0xFFFFFFE0] =	vst v24;
	v60 =	vadd.f32 v56, v63;
	v61 =	vmul.f32 v57, v41  }
0x137: {  	s24 =	sadd.s32 $0x1, s24;
	[tilespmem:s26+$0xFFFFFFF0] =	vst v23;
	v28 =	vadd.f32 v53, v28;
	v62 =	vmul.f32 v59, v36  }
0x138: {  	s2 =	sadd.s32 $0x40, s26;
	p0 =	sne.s32 s24, $0x20;
	[tilespmem:s26+$0x0] =	vst v22;
	v23 =	vmul.f32 v60, v37;
	v63 =	vadd.f32 v61, v52  }
.Ltmp5:
0x139: {  	[tilespmem:s2+$0x10] =	vst v28;
	v22 =	vadd.f32 v62, v55;
	(pc) =	sbr.rel @p0 .LBB2_2-.Ltmp5, $4  }
0x13a: {  	v23 =	vadd.f32 v23, v58;
	[tilespmem:s2+$0xFFFFFFE0] =	vst v63  }
0x13b: {  	[tilespmem:s2+$0xFFFFFFF0] =	vst v22  }
0x13c: {  	s31 =	sadd.s32 s3, s25;
	[tilespmem:s2+$0x0] =	vst v23  }
0x13d: {  	[hbm4b:s31+s5] =	stream.linear.scatter [tilespmem:s21], [sflag:$0x4], $0x2000, $0x38;
	[tilespmem:$0x8200] =	vst v63  }
0x13e: {  	s23 =	sadd.s32 $0x1, s23  }
0x13f: {  	_ =	swait.ge [sflag:s22], $0x2000;
	p0 =	sne.s32 s23, s10  }
.Ltmp6:
0x140: {  	[sflag:s22] =	ssyncset.done $0x0;
	(pc) =	sbr.rel @p0 .LBB2_1-.Ltmp6, $4  }
0x141: {  	[sflag:s22] =	ssyncadd.s32 $0xFFFFE000  }
0x142: {  	_ =	swait.ge [sflag:s20], $0x2000  }
0x143: {  	[sflag:s20] =	ssyncset.done $0x0  }
0x144: {  	[sflag:s20] =	ssyncadd.s32 $0xFFFFE000  }
0x145: {  	_ =	sfence.sel $0x180000  }
0x146: {  	[bflag:$0x0] =	sbarrier.arrive $0xFFFF  }
0x147: {  	_ =	strace $0x90000047  }
0x148: {  	[bflag:$0x2] =	sbarrier.arrive $0xFFFF  }
0x149: {  	p0 =	sne.s32 s4, $0x0;
	s0 =	rddreg [dreg:$0x3]  }
0x14a: {  	s0 =	sadd.s32 @!p0 $0x100000, s0  }
0x14b: {  	[sflag:s0] =	ssyncadd.tile.s32 @!p0 $0x1;
	_ =	shalt  }
.Lfunc_end2:
_tile_overlayer_lowered:
.L_overlay_start_2:
0x14c: {  	(tag) =	ssettag $0x2  }
0x14d: {  	s0 =	rddreg [dreg:$0x0];
	s2 =	stileid.u32  }
0x14e: {  	s1 =	rddreg [dreg:$0x1];
	p0 =	sne.s32 s2, $0x0  }
0x14f: {  	s3 =	rddreg [dreg:$0x2];
	[bflag:$0x3] =	sbarrier.arrive $0xFFFF;
	s2 =	simm.s32 @!p0 $0x1C05  }
0x150: {  	[timem:s3], [sflag:s2] =	dma.local @!p0 [hbm:s0], s1  }
0x151: {  	s0 =	simm.s32 @!p0 $0x5  }
0x152: {  	_ =	swait.ge @!p0 [sflag:s0], s1  }
0x153: {  	s1 =	ssub.s32 @!p0 $0x0, s1;
	[sflag:s0] =	ssyncset.done @!p0 $0x0  }
0x154: {  	[sflag:s0] =	ssyncadd.s32 @!p0 s1  }
0x155: {  	[bflag:$0x3] =	sbarrier.arrive $0xFFFF  }
0x156: {  	_ =	shalt  }

</sc_bundles>
